<compile_context>
chip_gen: v7x
topology: tpu7x:2x2x1
jax: 0.10.2.dev20260603
libtpu: 0.0.44.dev20260713+nightly
codegen_flags: <defaults>
</compile_context>

<pallas_src>
import functools

import jax
import jax.numpy as jnp
from jax import lax
from jax.experimental import pallas as pl
from jax.experimental.pallas import tpu as pltpu, tpu_sc as plsc


def _make_gather(V, D, B):
    info = plsc.get_sparse_core_info()
    NC, NS = info.num_cores, info.num_subcores
    NW = NC * NS
    assert B % (8 * NW) == 0
    b_per_w = B // NW
    mesh = plsc.VectorSubcoreMesh(core_axis_name="c", subcore_axis_name="s")

    @functools.partial(
        pl.kernel,
        mesh=mesh,
        out_type=jax.ShapeDtypeStruct((B, D), jnp.float32),
        scratch_types=[
            pltpu.VMEM((b_per_w,), jnp.int32),
            pltpu.VMEM((b_per_w, D), jnp.float32),
            pltpu.SemaphoreType.DMA,
            pltpu.SemaphoreType.DMA,
        ],
    )
    def gather_k(table_hbm, idx_hbm, out_hbm, idx_v, rows_v, sem0, sem1):
        wid = lax.axis_index("s") * NC + lax.axis_index("c")
        base = wid * b_per_w
        pltpu.sync_copy(idx_hbm.at[pl.ds(base, b_per_w)], idx_v)
        sems = (sem0, sem1)

        def issue_chunk(c, sem):
            v = idx_v[pl.ds(c * 16, 16)]
            for l in range(16):
                pltpu.async_copy(
                    table_hbm.at[pl.ds(v[l], 1)],
                    rows_v.at[pl.ds(c * 16 + l, 1)],
                    sem,
                )

        def drain_chunk(sem):
            pltpu.make_async_copy(
                table_hbm.at[pl.ds(0, 16)], rows_v.at[pl.ds(0, 16)], sem
            ).wait()

        n_chunks = b_per_w // 16
        LAG = 16

        @pl.loop(0, n_chunks // 2)
        def _main(h):
            c = h * 2
            issue_chunk(c, sems[0])
            issue_chunk(c + 1, sems[1])

            @pl.when(c >= LAG)
            def _():
                drain_chunk(sems[0])
                drain_chunk(sems[1])

        for _ in range(LAG // 2):
            drain_chunk(sems[0])
            drain_chunk(sems[1])

        pltpu.sync_copy(rows_v, out_hbm.at[pl.ds(base, b_per_w)])

    return gather_k


def kernel(data, channelindex):
    V, D = data.shape
    (B,) = channelindex.shape
    idx = channelindex.astype(jnp.int32)
    return _make_gather(V, D, B)(data, idx)

# --- scband reference (transcript-rebuilt; emitter-appended) ---
"""Pipeline reference for scband-static-array-spectrum-35588099015240 (READ-ONLY COPY).

The authoritative reference and input builder live on the scoring server;
editing this copy changes nothing except your own understanding.
"""

import jax, jax.numpy as jnp
import numpy as np

def setup_inputs(seed: int = 0) -> dict:
    key = jax.random.key(seed)
    k_data, k_idx = jax.random.split(key)
    data = jax.random.normal(k_data, (100000, 64), dtype=jnp.float32)
    channelindex = jax.random.randint(k_idx, (16384,), 0, 100000, dtype=jnp.int64)
    return {"data": data, "channelindex": channelindex}

def reference(data, channelindex):
    # StaticArraySpectrum.__call__: return self.data[self.channelindex]
    return jnp.take(data, channelindex, axis=0)

if __name__ == "__main__":
    import jax
    _d = setup_inputs()
    print(jax.jit(kernel)(*tuple(_d.values())))

</pallas_src>

<mosaic_0001>
#map = affine_map<(d0, d1) -> (0, 0)>
#map1 = affine_map<(d0, d1) -> (0)>
module attributes {stable_mosaic.version = 14 : i64} {
  func.func @gather_k(%arg0: i32, %arg1: i32, %arg2: memref<100000x64xf32, #tpu.memory_space<hbm>>, %arg3: memref<16384xi32, #tpu.memory_space<hbm>>, %arg4: memref<16384x64xf32, #tpu.memory_space<hbm>>, %arg5: memref<512xi32, #tpu.memory_space<vmem>>, %arg6: memref<512x64xf32, #tpu.memory_space<vmem>>, %arg7: memref<!tpu.dma_semaphore, #tpu.memory_space<semaphore_mem>>, %arg8: memref<!tpu.dma_semaphore, #tpu.memory_space<semaphore_mem>>) attributes {dimension_semantics = [#tpu.dimension_semantics<core_parallel>, #tpu.dimension_semantics<subcore_parallel>], iteration_bounds = array<i64: 2, 16>, scalar_prefetch = 0 : i64, scratch_operands = 4 : i64, tpu.core_type = #tpu.core_type<sc_vector_subcore>, window_params = [{transform_indices = #map}, {transform_indices = #map1}, {transform_indices = #map}]} {
    %mul3A = arith.constant 2 : i32
    %mul3A_0 = arith.muli %arg1, %mul3A : i32
    %add3A = arith.addi %mul3A_0, %arg0 : i32
    %mul3A_1 = arith.constant 512 : i32
    %mul3A_2 = arith.muli %add3A, %mul3A_1 : i32
    "tpu.region"() ({
      %run_scoped3A = tpu.sem_alloc : memref<!tpu.dma_semaphore, #tpu.memory_space<semaphore_mem>>
      %dma_start3A = tpu.memref_slice %arg3[%mul3A_2] : memref<16384xi32, #tpu.memory_space<hbm>> -> memref<512xi32, #tpu.memory_space<hbm>>
      %dma_start3A_198 = tpu.memref_slice %arg3[%mul3A_2] : memref<16384xi32, #tpu.memory_space<hbm>> -> memref<512xi32, #tpu.memory_space<hbm>>
      tpu.enqueue_dma source(%dma_start3A_198 : memref<512xi32, #tpu.memory_space<hbm>>) target(%arg5 : memref<512xi32, #tpu.memory_space<vmem>>) target_semaphore(%run_scoped3A : memref<!tpu.dma_semaphore, #tpu.memory_space<semaphore_mem>>)
      %dma_wait3A_199 = tpu.memref_slice %arg3[%mul3A_2] : memref<16384xi32, #tpu.memory_space<hbm>> -> memref<512xi32, #tpu.memory_space<hbm>>
      %dma_wait3A_200 = tpu.memref_slice %arg3[%mul3A_2] : memref<16384xi32, #tpu.memory_space<hbm>> -> memref<512xi32, #tpu.memory_space<hbm>>
      tpu.wait_dma2 semaphore(%run_scoped3A : memref<!tpu.dma_semaphore, #tpu.memory_space<semaphore_mem>>) src(%dma_wait3A_200 : memref<512xi32, #tpu.memory_space<hbm>>) dst(%arg5 : memref<512xi32, #tpu.memory_space<vmem>>)
      tpu.yield
    }) : () -> ()
    %scan3A = arith.constant 0 : i32
    %scan3A_3 = arith.constant 16 : i32
    %scan3A_4 = arith.addi %scan3A, %scan3A_3 : i32
    %scan3A_5 = arith.constant 1 : i32
    scf.for %scan3A_198 = %scan3A to %scan3A_4 step %scan3A_5  : i32 {
      %mul3A_199 = arith.constant 1 : i32
      %mul3A_200 = arith.muli %scan3A_198, %mul3A_199 : i32
      %add3A_201 = arith.constant 0 : i32
      %add3A_202 = arith.addi %add3A_201, %mul3A_200 : i32
      %mul3A_203 = arith.constant 2 : i32
      %mul3A_204 = arith.muli %add3A_202, %mul3A_203 : i32
      %mul3A_205 = arith.constant 16 : i32
      %mul3A_206 = arith.muli %mul3A_204, %mul3A_205 : i32
      %get3A = arith.index_cast %mul3A_206 : i32 to index
      %get3A_207 = tpu.vector_load %arg5[%get3A] {strides = array<i32>} : memref<512xi32, #tpu.memory_space<vmem>>, vector<16xi32>,
      %get3A_208 = vector.shape_cast %get3A_207 : vector<16xi32> to vector<16xi32>
      %slice3A = vector.extract_strided_slice %get3A_208 {offsets = [0], sizes = [1], strides = [1]} : vector<16xi32> to vector<1xi32>
      %squeeze3A = vector.extract %slice3A[0] : i32 from vector<1xi32>
      %mul3A_209 = arith.constant 16 : i32
      %mul3A_210 = arith.muli %mul3A_204, %mul3A_209 : i32
      %add3A_211 = arith.constant 0 : i32
      %add3A_212 = arith.addi %mul3A_210, %add3A_211 : i32
      %dma_start3A = arith.constant 0 : i32
      %dma_start3A_213 = tpu.memref_slice %arg6[%add3A_212, %dma_start3A] : memref<512x64xf32, #tpu.memory_space<vmem>> -> memref<1x64xf32, #tpu.memory_space<vmem>>
      %dma_start3A_214 = arith.constant 0 : i32
      %dma_start3A_215 = tpu.memref_slice %arg2[%squeeze3A, %dma_start3A_214] : memref<100000x64xf32, #tpu.memory_space<hbm>> -> memref<1x64xf32, #tpu.memory_space<hbm>>
      %dma_start3A_216 = arith.constant 0 : i32
      %dma_start3A_217 = tpu.memref_slice %arg6[%add3A_212, %dma_start3A_216] : memref<512x64xf32, #tpu.memory_space<vmem>> -> memref<1x64xf32, #tpu.memory_space<vmem>>
      %dma_start3A_218 = arith.constant 0 : i32
      %dma_start3A_219 = tpu.memref_slice %arg2[%squeeze3A, %dma_start3A_218] : memref<100000x64xf32, #tpu.memory_space<hbm>> -> memref<1x64xf32, #tpu.memory_space<hbm>>
      tpu.enqueue_dma source(%dma_start3A_219 : memref<1x64xf32, #tpu.memory_space<hbm>>) target(%dma_start3A_217 : memref<1x64xf32, #tpu.memory_space<vmem>>) target_semaphore(%arg7 : memref<!tpu.dma_semaphore, #tpu.memory_space<semaphore_mem>>)
      %slice3A_220 = vector.extract_strided_slice %get3A_208 {offsets = [1], sizes = [1], strides = [1]} : vector<16xi32> to vector<1xi32>
      %squeeze3A_221 = vector.extract %slice3A_220[0] : i32 from vector<1xi32>
      %mul3A_222 = arith.constant 16 : i32
      %mul3A_223 = arith.muli %mul3A_204, %mul3A_222 : i32
      %add3A_224 = arith.constant 1 : i32
      %add3A_225 = arith.addi %mul3A_223, %add3A_224 : i32
      %dma_start3A_226 = arith.constant 0 : i32
      %dma_start3A_227 = tpu.memref_slice %arg6[%add3A_225, %dma_start3A_226] : memref<512x64xf32, #tpu.memory_space<vmem>> -> memref<1x64xf32, #tpu.memory_space<vmem>>
      %dma_start3A_228 = arith.constant 0 : i32
      %dma_start3A_229 = tpu.memref_slice %arg2[%squeeze3A_221, %dma_start3A_228] : memref<100000x64xf32, #tpu.memory_space<hbm>> -> memref<1x64xf32, #tpu.memory_space<hbm>>
      %dma_start3A_230 = arith.constant 0 : i32
      %dma_start3A_231 = tpu.memref_slice %arg6[%add3A_225, %dma_start3A_230] : memref<512x64xf32, #tpu.memory_space<vmem>> -> memref<1x64xf32, #tpu.memory_space<vmem>>
      %dma_start3A_232 = arith.constant 0 : i32
      %dma_start3A_233 = tpu.memref_slice %arg2[%squeeze3A_221, %dma_start3A_232] : memref<100000x64xf32, #tpu.memory_space<hbm>> -> memref<1x64xf32, #tpu.memory_space<hbm>>
      tpu.enqueue_dma source(%dma_start3A_233 : memref<1x64xf32, #tpu.memory_space<hbm>>) target(%dma_start3A_231 : memref<1x64xf32, #tpu.memory_space<vmem>>) target_semaphore(%arg7 : memref<!tpu.dma_semaphore, #tpu.memory_space<semaphore_mem>>)
      %slice3A_234 = vector.extract_strided_slice %get3A_208 {offsets = [2], sizes = [1], strides = [1]} : vector<16xi32> to vector<1xi32>
      %squeeze3A_235 = vector.extract %slice3A_234[0] : i32 from vector<1xi32>
      %mul3A_236 = arith.constant 16 : i32
      %mul3A_237 = arith.muli %mul3A_204, %mul3A_236 : i32
      %add3A_238 = arith.constant 2 : i32
      %add3A_239 = arith.addi %mul3A_237, %add3A_238 : i32
      %dma_start3A_240 = arith.constant 0 : i32
      %dma_start3A_241 = tpu.memref_slice %arg6[%add3A_239, %dma_start3A_240] : memref<512x64xf32, #tpu.memory_space<vmem>> -> memref<1x64xf32, #tpu.memory_space<vmem>>
      %dma_start3A_242 = arith.constant 0 : i32
      %dma_start3A_243 = tpu.memref_slice %arg2[%squeeze3A_235, %dma_start3A_242] : memref<100000x64xf32, #tpu.memory_space<hbm>> -> memref<1x64xf32, #tpu.memory_space<hbm>>
      %dma_start3A_244 = arith.constant 0 : i32
      %dma_start3A_245 = tpu.memref_slice %arg6[%add3A_239, %dma_start3A_244] : memref<512x64xf32, #tpu.memory_space<vmem>> -> memref<1x64xf32, #tpu.memory_space<vmem>>
      %dma_start3A_246 = arith.constant 0 : i32
      %dma_start3A_247 = tpu.memref_slice %arg2[%squeeze3A_235, %dma_start3A_246] : memref<100000x64xf32, #tpu.memory_space<hbm>> -> memref<1x64xf32, #tpu.memory_space<hbm>>
      tpu.enqueue_dma source(%dma_start3A_247 : memref<1x64xf32, #tpu.memory_space<hbm>>) target(%dma_start3A_245 : memref<1x64xf32, #tpu.memory_space<vmem>>) target_semaphore(%arg7 : memref<!tpu.dma_semaphore, #tpu.memory_space<semaphore_mem>>)
      %slice3A_248 = vector.extract_strided_slice %get3A_208 {offsets = [3], sizes = [1], strides = [1]} : vector<16xi32> to vector<1xi32>
      %squeeze3A_249 = vector.extract %slice3A_248[0] : i32 from vector<1xi32>
      %mul3A_250 = arith.constant 16 : i32
      %mul3A_251 = arith.muli %mul3A_204, %mul3A_250 : i32
      %add3A_252 = arith.constant 3 : i32
      %add3A_253 = arith.addi %mul3A_251, %add3A_252 : i32
      %dma_start3A_254 = arith.constant 0 : i32
      %dma_start3A_255 = tpu.memref_slice %arg6[%add3A_253, %dma_start3A_254] : memref<512x64xf32, #tpu.memory_space<vmem>> -> memref<1x64xf32, #tpu.memory_space<vmem>>
      %dma_start3A_256 = arith.constant 0 : i32
      %dma_start3A_257 = tpu.memref_slice %arg2[%squeeze3A_249, %dma_start3A_256] : memref<100000x64xf32, #tpu.memory_space<hbm>> -> memref<1x64xf32, #tpu.memory_space<hbm>>
      %dma_start3A_258 = arith.constant 0 : i32
      %dma_start3A_259 = tpu.memref_slice %arg6[%add3A_253, %dma_start3A_258] : memref<512x64xf32, #tpu.memory_space<vmem>> -> memref<1x64xf32, #tpu.memory_space<vmem>>
      %dma_start3A_260 = arith.constant 0 : i32
      %dma_start3A_261 = tpu.memref_slice %arg2[%squeeze3A_249, %dma_start3A_260] : memref<100000x64xf32, #tpu.memory_space<hbm>> -> memref<1x64xf32, #tpu.memory_space<hbm>>
      tpu.enqueue_dma source(%dma_start3A_261 : memref<1x64xf32, #tpu.memory_space<hbm>>) target(%dma_start3A_259 : memref<1x64xf32, #tpu.memory_space<vmem>>) target_semaphore(%arg7 : memref<!tpu.dma_semaphore, #tpu.memory_space<semaphore_mem>>)
      %slice3A_262 = vector.extract_strided_slice %get3A_208 {offsets = [4], sizes = [1], strides = [1]} : vector<16xi32> to vector<1xi32>
      %squeeze3A_263 = vector.extract %slice3A_262[0] : i32 from vector<1xi32>
      %mul3A_264 = arith.constant 16 : i32
      %mul3A_265 = arith.muli %mul3A_204, %mul3A_264 : i32
      %add3A_266 = arith.constant 4 : i32
      %add3A_267 = arith.addi %mul3A_265, %add3A_266 : i32
      %dma_start3A_268 = arith.constant 0 : i32
      %dma_start3A_269 = tpu.memref_slice %arg6[%add3A_267, %dma_start3A_268] : memref<512x64xf32, #tpu.memory_space<vmem>> -> memref<1x64xf32, #tpu.memory_space<vmem>>
      %dma_start3A_270 = arith.constant 0 : i32
      %dma_start3A_271 = tpu.memref_slice %arg2[%squeeze3A_263, %dma_start3A_270] : memref<100000x64xf32, #tpu.memory_space<hbm>> -> memref<1x64xf32, #tpu.memory_space<hbm>>
      %dma_start3A_272 = arith.constant 0 : i32
      %dma_start3A_273 = tpu.memref_slice %arg6[%add3A_267, %dma_start3A_272] : memref<512x64xf32, #tpu.memory_space<vmem>> -> memref<1x64xf32, #tpu.memory_space<vmem>>
      %dma_start3A_274 = arith.constant 0 : i32
      %dma_start3A_275 = tpu.memref_slice %arg2[%squeeze3A_263, %dma_start3A_274] : memref<100000x64xf32, #tpu.memory_space<hbm>> -> memref<1x64xf32, #tpu.memory_space<hbm>>
      tpu.enqueue_dma source(%dma_start3A_275 : memref<1x64xf32, #tpu.memory_space<hbm>>) target(%dma_start3A_273 : memref<1x64xf32, #tpu.memory_space<vmem>>) target_semaphore(%arg7 : memref<!tpu.dma_semaphore, #tpu.memory_space<semaphore_mem>>)
      %slice3A_276 = vector.extract_strided_slice %get3A_208 {offsets = [5], sizes = [1], strides = [1]} : vector<16xi32> to vector<1xi32>
      %squeeze3A_277 = vector.extract %slice3A_276[0] : i32 from vector<1xi32>
      %mul3A_278 = arith.constant 16 : i32
      %mul3A_279 = arith.muli %mul3A_204, %mul3A_278 : i32
      %add3A_280 = arith.constant 5 : i32
      %add3A_281 = arith.addi %mul3A_279, %add3A_280 : i32
      %dma_start3A_282 = arith.constant 0 : i32
      %dma_start3A_283 = tpu.memref_slice %arg6[%add3A_281, %dma_start3A_282] : memref<512x64xf32, #tpu.memory_space<vmem>> -> memref<1x64xf32, #tpu.memory_space<vmem>>
      %dma_start3A_284 = arith.constant 0 : i32
      %dma_start3A_285 = tpu.memref_slice %arg2[%squeeze3A_277, %dma_start3A_284] : memref<100000x64xf32, #tpu.memory_space<hbm>> -> memref<1x64xf32, #tpu.memory_space<hbm>>
      %dma_start3A_286 = arith.constant 0 : i32
      %dma_start3A_287 = tpu.memref_slice %arg6[%add3A_281, %dma_start3A_286] : memref<512x64xf32, #tpu.memory_space<vmem>> -> memref<1x64xf32, #tpu.memory_space<vmem>>
      %dma_start3A_288 = arith.constant 0 : i32
      %dma_start3A_289 = tpu.memref_slice %arg2[%squeeze3A_277, %dma_start3A_288] : memref<100000x64xf32, #tpu.memory_space<hbm>> -> memref<1x64xf32, #tpu.memory_space<hbm>>
      tpu.enqueue_dma source(%dma_start3A_289 : memref<1x64xf32, #tpu.memory_space<hbm>>) target(%dma_start3A_287 : memref<1x64xf32, #tpu.memory_space<vmem>>) target_semaphore(%arg7 : memref<!tpu.dma_semaphore, #tpu.memory_space<semaphore_mem>>)
      %slice3A_290 = vector.extract_strided_slice %get3A_208 {offsets = [6], sizes = [1], strides = [1]} : vector<16xi32> to vector<1xi32>
      %squeeze3A_291 = vector.extract %slice3A_290[0] : i32 from vector<1xi32>
      %mul3A_292 = arith.constant 16 : i32
      %mul3A_293 = arith.muli %mul3A_204, %mul3A_292 : i32
      %add3A_294 = arith.constant 6 : i32
      %add3A_295 = arith.addi %mul3A_293, %add3A_294 : i32
      %dma_start3A_296 = arith.constant 0 : i32
      %dma_start3A_297 = tpu.memref_slice %arg6[%add3A_295, %dma_start3A_296] : memref<512x64xf32, #tpu.memory_space<vmem>> -> memref<1x64xf32, #tpu.memory_space<vmem>>
      %dma_start3A_298 = arith.constant 0 : i32
      %dma_start3A_299 = tpu.memref_slice %arg2[%squeeze3A_291, %dma_start3A_298] : memref<100000x64xf32, #tpu.memory_space<hbm>> -> memref<1x64xf32, #tpu.memory_space<hbm>>
      %dma_start3A_300 = arith.constant 0 : i32
      %dma_start3A_301 = tpu.memref_slice %arg6[%add3A_295, %dma_start3A_300] : memref<512x64xf32, #tpu.memory_space<vmem>> -> memref<1x64xf32, #tpu.memory_space<vmem>>
      %dma_start3A_302 = arith.constant 0 : i32
      %dma_start3A_303 = tpu.memref_slice %arg2[%squeeze3A_291, %dma_start3A_302] : memref<100000x64xf32, #tpu.memory_space<hbm>> -> memref<1x64xf32, #tpu.memory_space<hbm>>
      tpu.enqueue_dma source(%dma_start3A_303 : memref<1x64xf32, #tpu.memory_space<hbm>>) target(%dma_start3A_301 : memref<1x64xf32, #tpu.memory_space<vmem>>) target_semaphore(%arg7 : memref<!tpu.dma_semaphore, #tpu.memory_space<semaphore_mem>>)
      %slice3A_304 = vector.extract_strided_slice %get3A_208 {offsets = [7], sizes = [1], strides = [1]} : vector<16xi32> to vector<1xi32>
      %squeeze3A_305 = vector.extract %slice3A_304[0] : i32 from vector<1xi32>
      %mul3A_306 = arith.constant 16 : i32
      %mul3A_307 = arith.muli %mul3A_204, %mul3A_306 : i32
      %add3A_308 = arith.constant 7 : i32
      %add3A_309 = arith.addi %mul3A_307, %add3A_308 : i32
      %dma_start3A_310 = arith.constant 0 : i32
      %dma_start3A_311 = tpu.memref_slice %arg6[%add3A_309, %dma_start3A_310] : memref<512x64xf32, #tpu.memory_space<vmem>> -> memref<1x64xf32, #tpu.memory_space<vmem>>
      %dma_start3A_312 = arith.constant 0 : i32
      %dma_start3A_313 = tpu.memref_slice %arg2[%squeeze3A_305, %dma_start3A_312] : memref<100000x64xf32, #tpu.memory_space<hbm>> -> memref<1x64xf32, #tpu.memory_space<hbm>>
      %dma_start3A_314 = arith.constant 0 : i32
      %dma_start3A_315 = tpu.memref_slice %arg6[%add3A_309, %dma_start3A_314] : memref<512x64xf32, #tpu.memory_space<vmem>> -> memref<1x64xf32, #tpu.memory_space<vmem>>
      %dma_start3A_316 = arith.constant 0 : i32
      %dma_start3A_317 = tpu.memref_slice %arg2[%squeeze3A_305, %dma_start3A_316] : memref<100000x64xf32, #tpu.memory_space<hbm>> -> memref<1x64xf32, #tpu.memory_space<hbm>>
      tpu.enqueue_dma source(%dma_start3A_317 : memref<1x64xf32, #tpu.memory_space<hbm>>) target(%dma_start3A_315 : memref<1x64xf32, #tpu.memory_space<vmem>>) target_semaphore(%arg7 : memref<!tpu.dma_semaphore, #tpu.memory_space<semaphore_mem>>)
      %slice3A_318 = vector.extract_strided_slice %get3A_208 {offsets = [8], sizes = [1], strides = [1]} : vector<16xi32> to vector<1xi32>
      %squeeze3A_319 = vector.extract %slice3A_318[0] : i32 from vector<1xi32>
      %mul3A_320 = arith.constant 16 : i32
      %mul3A_321 = arith.muli %mul3A_204, %mul3A_320 : i32
      %add3A_322 = arith.constant 8 : i32
      %add3A_323 = arith.addi %mul3A_321, %add3A_322 : i32
      %dma_start3A_324 = arith.constant 0 : i32
      %dma_start3A_325 = tpu.memref_slice %arg6[%add3A_323, %dma_start3A_324] : memref<512x64xf32, #tpu.memory_space<vmem>> -> memref<1x64xf32, #tpu.memory_space<vmem>>
      %dma_start3A_326 = arith.constant 0 : i32
      %dma_start3A_327 = tpu.memref_slice %arg2[%squeeze3A_319, %dma_start3A_326] : memref<100000x64xf32, #tpu.memory_space<hbm>> -> memref<1x64xf32, #tpu.memory_space<hbm>>
      %dma_start3A_328 = arith.constant 0 : i32
      %dma_start3A_329 = tpu.memref_slice %arg6[%add3A_323, %dma_start3A_328] : memref<512x64xf32, #tpu.memory_space<vmem>> -> memref<1x64xf32, #tpu.memory_space<vmem>>
      %dma_start3A_330 = arith.constant 0 : i32
      %dma_start3A_331 = tpu.memref_slice %arg2[%squeeze3A_319, %dma_start3A_330] : memref<100000x64xf32, #tpu.memory_space<hbm>> -> memref<1x64xf32, #tpu.memory_space<hbm>>
      tpu.enqueue_dma source(%dma_start3A_331 : memref<1x64xf32, #tpu.memory_space<hbm>>) target(%dma_start3A_329 : memref<1x64xf32, #tpu.memory_space<vmem>>) target_semaphore(%arg7 : memref<!tpu.dma_semaphore, #tpu.memory_space<semaphore_mem>>)
      %slice3A_332 = vector.extract_strided_slice %get3A_208 {offsets = [9], sizes = [1], strides = [1]} : vector<16xi32> to vector<1xi32>
      %squeeze3A_333 = vector.extract %slice3A_332[0] : i32 from vector<1xi32>
      %mul3A_334 = arith.constant 16 : i32
      %mul3A_335 = arith.muli %mul3A_204, %mul3A_334 : i32
      %add3A_336 = arith.constant 9 : i32
      %add3A_337 = arith.addi %mul3A_335, %add3A_336 : i32
      %dma_start3A_338 = arith.constant 0 : i32
      %dma_start3A_339 = tpu.memref_slice %arg6[%add3A_337, %dma_start3A_338] : memref<512x64xf32, #tpu.memory_space<vmem>> -> memref<1x64xf32, #tpu.memory_space<vmem>>
      %dma_start3A_340 = arith.constant 0 : i32
      %dma_start3A_341 = tpu.memref_slice %arg2[%squeeze3A_333, %dma_start3A_340] : memref<100000x64xf32, #tpu.memory_space<hbm>> -> memref<1x64xf32, #tpu.memory_space<hbm>>
      %dma_start3A_342 = arith.constant 0 : i32
      %dma_start3A_343 = tpu.memref_slice %arg6[%add3A_337, %dma_start3A_342] : memref<512x64xf32, #tpu.memory_space<vmem>> -> memref<1x64xf32, #tpu.memory_space<vmem>>
      %dma_start3A_344 = arith.constant 0 : i32
      %dma_start3A_345 = tpu.memref_slice %arg2[%squeeze3A_333, %dma_start3A_344] : memref<100000x64xf32, #tpu.memory_space<hbm>> -> memref<1x64xf32, #tpu.memory_space<hbm>>
      tpu.enqueue_dma source(%dma_start3A_345 : memref<1x64xf32, #tpu.memory_space<hbm>>) target(%dma_start3A_343 : memref<1x64xf32, #tpu.memory_space<vmem>>) target_semaphore(%arg7 : memref<!tpu.dma_semaphore, #tpu.memory_space<semaphore_mem>>)
      %slice3A_346 = vector.extract_strided_slice %get3A_208 {offsets = [10], sizes = [1], strides = [1]} : vector<16xi32> to vector<1xi32>
      %squeeze3A_347 = vector.extract %slice3A_346[0] : i32 from vector<1xi32>
      %mul3A_348 = arith.constant 16 : i32
      %mul3A_349 = arith.muli %mul3A_204, %mul3A_348 : i32
      %add3A_350 = arith.constant 10 : i32
      %add3A_351 = arith.addi %mul3A_349, %add3A_350 : i32
      %dma_start3A_352 = arith.constant 0 : i32
      %dma_start3A_353 = tpu.memref_slice %arg6[%add3A_351, %dma_start3A_352] : memref<512x64xf32, #tpu.memory_space<vmem>> -> memref<1x64xf32, #tpu.memory_space<vmem>>
      %dma_start3A_354 = arith.constant 0 : i32
      %dma_start3A_355 = tpu.memref_slice %arg2[%squeeze3A_347, %dma_start3A_354] : memref<100000x64xf32, #tpu.memory_space<hbm>> -> memref<1x64xf32, #tpu.memory_space<hbm>>
      %dma_start3A_356 = arith.constant 0 : i32
      %dma_start3A_357 = tpu.memref_slice %arg6[%add3A_351, %dma_start3A_356] : memref<512x64xf32, #tpu.memory_space<vmem>> -> memref<1x64xf32, #tpu.memory_space<vmem>>
      %dma_start3A_358 = arith.constant 0 : i32
      %dma_start3A_359 = tpu.memref_slice %arg2[%squeeze3A_347, %dma_start3A_358] : memref<100000x64xf32, #tpu.memory_space<hbm>> -> memref<1x64xf32, #tpu.memory_space<hbm>>
      tpu.enqueue_dma source(%dma_start3A_359 : memref<1x64xf32, #tpu.memory_space<hbm>>) target(%dma_start3A_357 : memref<1x64xf32, #tpu.memory_space<vmem>>) target_semaphore(%arg7 : memref<!tpu.dma_semaphore, #tpu.memory_space<semaphore_mem>>)
      %slice3A_360 = vector.extract_strided_slice %get3A_208 {offsets = [11], sizes = [1], strides = [1]} : vector<16xi32> to vector<1xi32>
      %squeeze3A_361 = vector.extract %slice3A_360[0] : i32 from vector<1xi32>
      %mul3A_362 = arith.constant 16 : i32
      %mul3A_363 = arith.muli %mul3A_204, %mul3A_362 : i32
      %add3A_364 = arith.constant 11 : i32
      %add3A_365 = arith.addi %mul3A_363, %add3A_364 : i32
      %dma_start3A_366 = arith.constant 0 : i32
      %dma_start3A_367 = tpu.memref_slice %arg6[%add3A_365, %dma_start3A_366] : memref<512x64xf32, #tpu.memory_space<vmem>> -> memref<1x64xf32, #tpu.memory_space<vmem>>
      %dma_start3A_368 = arith.constant 0 : i32
      %dma_start3A_369 = tpu.memref_slice %arg2[%squeeze3A_361, %dma_start3A_368] : memref<100000x64xf32, #tpu.memory_space<hbm>> -> memref<1x64xf32, #tpu.memory_space<hbm>>
      %dma_start3A_370 = arith.constant 0 : i32
      %dma_start3A_371 = tpu.memref_slice %arg6[%add3A_365, %dma_start3A_370] : memref<512x64xf32, #tpu.memory_space<vmem>> -> memref<1x64xf32, #tpu.memory_space<vmem>>
      %dma_start3A_372 = arith.constant 0 : i32
      %dma_start3A_373 = tpu.memref_slice %arg2[%squeeze3A_361, %dma_start3A_372] : memref<100000x64xf32, #tpu.memory_space<hbm>> -> memref<1x64xf32, #tpu.memory_space<hbm>>
      tpu.enqueue_dma source(%dma_start3A_373 : memref<1x64xf32, #tpu.memory_space<hbm>>) target(%dma_start3A_371 : memref<1x64xf32, #tpu.memory_space<vmem>>) target_semaphore(%arg7 : memref<!tpu.dma_semaphore, #tpu.memory_space<semaphore_mem>>)
      %slice3A_374 = vector.extract_strided_slice %get3A_208 {offsets = [12], sizes = [1], strides = [1]} : vector<16xi32> to vector<1xi32>
      %squeeze3A_375 = vector.extract %slice3A_374[0] : i32 from vector<1xi32>
      %mul3A_376 = arith.constant 16 : i32
      %mul3A_377 = arith.muli %mul3A_204, %mul3A_376 : i32
      %add3A_378 = arith.constant 12 : i32
      %add3A_379 = arith.addi %mul3A_377, %add3A_378 : i32
      %dma_start3A_380 = arith.constant 0 : i32
      %dma_start3A_381 = tpu.memref_slice %arg6[%add3A_379, %dma_start3A_380] : memref<512x64xf32, #tpu.memory_space<vmem>> -> memref<1x64xf32, #tpu.memory_space<vmem>>
      %dma_start3A_382 = arith.constant 0 : i32
      %dma_start3A_383 = tpu.memref_slice %arg2[%squeeze3A_375, %dma_start3A_382] : memref<100000x64xf32, #tpu.memory_space<hbm>> -> memref<1x64xf32, #tpu.memory_space<hbm>>
      %dma_start3A_384 = arith.constant 0 : i32
      %dma_start3A_385 = tpu.memref_slice %arg6[%add3A_379, %dma_start3A_384] : memref<512x64xf32, #tpu.memory_space<vmem>> -> memref<1x64xf32, #tpu.memory_space<vmem>>
      %dma_start3A_386 = arith.constant 0 : i32
      %dma_start3A_387 = tpu.memref_slice %arg2[%squeeze3A_375, %dma_start3A_386] : memref<100000x64xf32, #tpu.memory_space<hbm>> -> memref<1x64xf32, #tpu.memory_space<hbm>>
      tpu.enqueue_dma source(%dma_start3A_387 : memref<1x64xf32, #tpu.memory_space<hbm>>) target(%dma_start3A_385 : memref<1x64xf32, #tpu.memory_space<vmem>>) target_semaphore(%arg7 : memref<!tpu.dma_semaphore, #tpu.memory_space<semaphore_mem>>)
      %slice3A_388 = vector.extract_strided_slice %get3A_208 {offsets = [13], sizes = [1], strides = [1]} : vector<16xi32> to vector<1xi32>
      %squeeze3A_389 = vector.extract %slice3A_388[0] : i32 from vector<1xi32>
      %mul3A_390 = arith.constant 16 : i32
      %mul3A_391 = arith.muli %mul3A_204, %mul3A_390 : i32
      %add3A_392 = arith.constant 13 : i32
      %add3A_393 = arith.addi %mul3A_391, %add3A_392 : i32
      %dma_start3A_394 = arith.constant 0 : i32
      %dma_start3A_395 = tpu.memref_slice %arg6[%add3A_393, %dma_start3A_394] : memref<512x64xf32, #tpu.memory_space<vmem>> -> memref<1x64xf32, #tpu.memory_space<vmem>>
      %dma_start3A_396 = arith.constant 0 : i32
      %dma_start3A_397 = tpu.memref_slice %arg2[%squeeze3A_389, %dma_start3A_396] : memref<100000x64xf32, #tpu.memory_space<hbm>> -> memref<1x64xf32, #tpu.memory_space<hbm>>
      %dma_start3A_398 = arith.constant 0 : i32
      %dma_start3A_399 = tpu.memref_slice %arg6[%add3A_393, %dma_start3A_398] : memref<512x64xf32, #tpu.memory_space<vmem>> -> memref<1x64xf32, #tpu.memory_space<vmem>>
      %dma_start3A_400 = arith.constant 0 : i32
      %dma_start3A_401 = tpu.memref_slice %arg2[%squeeze3A_389, %dma_start3A_400] : memref<100000x64xf32, #tpu.memory_space<hbm>> -> memref<1x64xf32, #tpu.memory_space<hbm>>
      tpu.enqueue_dma source(%dma_start3A_401 : memref<1x64xf32, #tpu.memory_space<hbm>>) target(%dma_start3A_399 : memref<1x64xf32, #tpu.memory_space<vmem>>) target_semaphore(%arg7 : memref<!tpu.dma_semaphore, #tpu.memory_space<semaphore_mem>>)
      %slice3A_402 = vector.extract_strided_slice %get3A_208 {offsets = [14], sizes = [1], strides = [1]} : vector<16xi32> to vector<1xi32>
      %squeeze3A_403 = vector.extract %slice3A_402[0] : i32 from vector<1xi32>
      %mul3A_404 = arith.constant 16 : i32
      %mul3A_405 = arith.muli %mul3A_204, %mul3A_404 : i32
      %add3A_406 = arith.constant 14 : i32
      %add3A_407 = arith.addi %mul3A_405, %add3A_406 : i32
      %dma_start3A_408 = arith.constant 0 : i32
      %dma_start3A_409 = tpu.memref_slice %arg6[%add3A_407, %dma_start3A_408] : memref<512x64xf32, #tpu.memory_space<vmem>> -> memref<1x64xf32, #tpu.memory_space<vmem>>
      %dma_start3A_410 = arith.constant 0 : i32
      %dma_start3A_411 = tpu.memref_slice %arg2[%squeeze3A_403, %dma_start3A_410] : memref<100000x64xf32, #tpu.memory_space<hbm>> -> memref<1x64xf32, #tpu.memory_space<hbm>>
      %dma_start3A_412 = arith.constant 0 : i32
      %dma_start3A_413 = tpu.memref_slice %arg6[%add3A_407, %dma_start3A_412] : memref<512x64xf32, #tpu.memory_space<vmem>> -> memref<1x64xf32, #tpu.memory_space<vmem>>
      %dma_start3A_414 = arith.constant 0 : i32
      %dma_start3A_415 = tpu.memref_slice %arg2[%squeeze3A_403, %dma_start3A_414] : memref<100000x64xf32, #tpu.memory_space<hbm>> -> memref<1x64xf32, #tpu.memory_space<hbm>>
      tpu.enqueue_dma source(%dma_start3A_415 : memref<1x64xf32, #tpu.memory_space<hbm>>) target(%dma_start3A_413 : memref<1x64xf32, #tpu.memory_space<vmem>>) target_semaphore(%arg7 : memref<!tpu.dma_semaphore, #tpu.memory_space<semaphore_mem>>)
      %slice3A_416 = vector.extract_strided_slice %get3A_208 {offsets = [15], sizes = [1], strides = [1]} : vector<16xi32> to vector<1xi32>
      %squeeze3A_417 = vector.extract %slice3A_416[0] : i32 from vector<1xi32>
      %mul3A_418 = arith.constant 16 : i32
      %mul3A_419 = arith.muli %mul3A_204, %mul3A_418 : i32
      %add3A_420 = arith.constant 15 : i32
      %add3A_421 = arith.addi %mul3A_419, %add3A_420 : i32
      %dma_start3A_422 = arith.constant 0 : i32
      %dma_start3A_423 = tpu.memref_slice %arg6[%add3A_421, %dma_start3A_422] : memref<512x64xf32, #tpu.memory_space<vmem>> -> memref<1x64xf32, #tpu.memory_space<vmem>>
      %dma_start3A_424 = arith.constant 0 : i32
      %dma_start3A_425 = tpu.memref_slice %arg2[%squeeze3A_417, %dma_start3A_424] : memref<100000x64xf32, #tpu.memory_space<hbm>> -> memref<1x64xf32, #tpu.memory_space<hbm>>
      %dma_start3A_426 = arith.constant 0 : i32
      %dma_start3A_427 = tpu.memref_slice %arg6[%add3A_421, %dma_start3A_426] : memref<512x64xf32, #tpu.memory_space<vmem>> -> memref<1x64xf32, #tpu.memory_space<vmem>>
      %dma_start3A_428 = arith.constant 0 : i32
      %dma_start3A_429 = tpu.memref_slice %arg2[%squeeze3A_417, %dma_start3A_428] : memref<100000x64xf32, #tpu.memory_space<hbm>> -> memref<1x64xf32, #tpu.memory_space<hbm>>
      tpu.enqueue_dma source(%dma_start3A_429 : memref<1x64xf32, #tpu.memory_space<hbm>>) target(%dma_start3A_427 : memref<1x64xf32, #tpu.memory_space<vmem>>) target_semaphore(%arg7 : memref<!tpu.dma_semaphore, #tpu.memory_space<semaphore_mem>>)
      %add3A_430 = arith.constant 1 : i32
      %add3A_431 = arith.addi %mul3A_204, %add3A_430 : i32
      %mul3A_432 = arith.constant 16 : i32
      %mul3A_433 = arith.muli %add3A_431, %mul3A_432 : i32
      %get3A_434 = arith.index_cast %mul3A_433 : i32 to index
      %get3A_435 = tpu.vector_load %arg5[%get3A_434] {strides = array<i32>} : memref<512xi32, #tpu.memory_space<vmem>>, vector<16xi32>,
      %get3A_436 = vector.shape_cast %get3A_435 : vector<16xi32> to vector<16xi32>
      %slice3A_437 = vector.extract_strided_slice %get3A_436 {offsets = [0], sizes = [1], strides = [1]} : vector<16xi32> to vector<1xi32>
      %squeeze3A_438 = vector.extract %slice3A_437[0] : i32 from vector<1xi32>
      %mul3A_439 = arith.constant 16 : i32
      %mul3A_440 = arith.muli %add3A_431, %mul3A_439 : i32
      %add3A_441 = arith.constant 0 : i32
      %add3A_442 = arith.addi %mul3A_440, %add3A_441 : i32
      %dma_start3A_443 = arith.constant 0 : i32
      %dma_start3A_444 = tpu.memref_slice %arg6[%add3A_442, %dma_start3A_443] : memref<512x64xf32, #tpu.memory_space<vmem>> -> memref<1x64xf32, #tpu.memory_space<vmem>>
      %dma_start3A_445 = arith.constant 0 : i32
      %dma_start3A_446 = tpu.memref_slice %arg2[%squeeze3A_438, %dma_start3A_445] : memref<100000x64xf32, #tpu.memory_space<hbm>> -> memref<1x64xf32, #tpu.memory_space<hbm>>
      %dma_start3A_447 = arith.constant 0 : i32
      %dma_start3A_448 = tpu.memref_slice %arg6[%add3A_442, %dma_start3A_447] : memref<512x64xf32, #tpu.memory_space<vmem>> -> memref<1x64xf32, #tpu.memory_space<vmem>>
      %dma_start3A_449 = arith.constant 0 : i32
      %dma_start3A_450 = tpu.memref_slice %arg2[%squeeze3A_438, %dma_start3A_449] : memref<100000x64xf32, #tpu.memory_space<hbm>> -> memref<1x64xf32, #tpu.memory_space<hbm>>
      tpu.enqueue_dma source(%dma_start3A_450 : memref<1x64xf32, #tpu.memory_space<hbm>>) target(%dma_start3A_448 : memref<1x64xf32, #tpu.memory_space<vmem>>) target_semaphore(%arg8 : memref<!tpu.dma_semaphore, #tpu.memory_space<semaphore_mem>>)
      %slice3A_451 = vector.extract_strided_slice %get3A_436 {offsets = [1], sizes = [1], strides = [1]} : vector<16xi32> to vector<1xi32>
      %squeeze3A_452 = vector.extract %slice3A_451[0] : i32 from vector<1xi32>
      %mul3A_453 = arith.constant 16 : i32
      %mul3A_454 = arith.muli %add3A_431, %mul3A_453 : i32
      %add3A_455 = arith.constant 1 : i32
      %add3A_456 = arith.addi %mul3A_454, %add3A_455 : i32
      %dma_start3A_457 = arith.constant 0 : i32
      %dma_start3A_458 = tpu.memref_slice %arg6[%add3A_456, %dma_start3A_457] : memref<512x64xf32, #tpu.memory_space<vmem>> -> memref<1x64xf32, #tpu.memory_space<vmem>>
      %dma_start3A_459 = arith.constant 0 : i32
      %dma_start3A_460 = tpu.memref_slice %arg2[%squeeze3A_452, %dma_start3A_459] : memref<100000x64xf32, #tpu.memory_space<hbm>> -> memref<1x64xf32, #tpu.memory_space<hbm>>
      %dma_start3A_461 = arith.constant 0 : i32
      %dma_start3A_462 = tpu.memref_slice %arg6[%add3A_456, %dma_start3A_461] : memref<512x64xf32, #tpu.memory_space<vmem>> -> memref<1x64xf32, #tpu.memory_space<vmem>>
      %dma_start3A_463 = arith.constant 0 : i32
      %dma_start3A_464 = tpu.memref_slice %arg2[%squeeze3A_452, %dma_start3A_463] : memref<100000x64xf32, #tpu.memory_space<hbm>> -> memref<1x64xf32, #tpu.memory_space<hbm>>
      tpu.enqueue_dma source(%dma_start3A_464 : memref<1x64xf32, #tpu.memory_space<hbm>>) target(%dma_start3A_462 : memref<1x64xf32, #tpu.memory_space<vmem>>) target_semaphore(%arg8 : memref<!tpu.dma_semaphore, #tpu.memory_space<semaphore_mem>>)
      %slice3A_465 = vector.extract_strided_slice %get3A_436 {offsets = [2], sizes = [1], strides = [1]} : vector<16xi32> to vector<1xi32>
      %squeeze3A_466 = vector.extract %slice3A_465[0] : i32 from vector<1xi32>
      %mul3A_467 = arith.constant 16 : i32
      %mul3A_468 = arith.muli %add3A_431, %mul3A_467 : i32
      %add3A_469 = arith.constant 2 : i32
      %add3A_470 = arith.addi %mul3A_468, %add3A_469 : i32
      %dma_start3A_471 = arith.constant 0 : i32
      %dma_start3A_472 = tpu.memref_slice %arg6[%add3A_470, %dma_start3A_471] : memref<512x64xf32, #tpu.memory_space<vmem>> -> memref<1x64xf32, #tpu.memory_space<vmem>>
      %dma_start3A_473 = arith.constant 0 : i32
      %dma_start3A_474 = tpu.memref_slice %arg2[%squeeze3A_466, %dma_start3A_473] : memref<100000x64xf32, #tpu.memory_space<hbm>> -> memref<1x64xf32, #tpu.memory_space<hbm>>
      %dma_start3A_475 = arith.constant 0 : i32
      %dma_start3A_476 = tpu.memref_slice %arg6[%add3A_470, %dma_start3A_475] : memref<512x64xf32, #tpu.memory_space<vmem>> -> memref<1x64xf32, #tpu.memory_space<vmem>>
      %dma_start3A_477 = arith.constant 0 : i32
      %dma_start3A_478 = tpu.memref_slice %arg2[%squeeze3A_466, %dma_start3A_477] : memref<100000x64xf32, #tpu.memory_space<hbm>> -> memref<1x64xf32, #tpu.memory_space<hbm>>
      tpu.enqueue_dma source(%dma_start3A_478 : memref<1x64xf32, #tpu.memory_space<hbm>>) target(%dma_start3A_476 : memref<1x64xf32, #tpu.memory_space<vmem>>) target_semaphore(%arg8 : memref<!tpu.dma_semaphore, #tpu.memory_space<semaphore_mem>>)
      %slice3A_479 = vector.extract_strided_slice %get3A_436 {offsets = [3], sizes = [1], strides = [1]} : vector<16xi32> to vector<1xi32>
      %squeeze3A_480 = vector.extract %slice3A_479[0] : i32 from vector<1xi32>
      %mul3A_481 = arith.constant 16 : i32
      %mul3A_482 = arith.muli %add3A_431, %mul3A_481 : i32
      %add3A_483 = arith.constant 3 : i32
      %add3A_484 = arith.addi %mul3A_482, %add3A_483 : i32
      %dma_start3A_485 = arith.constant 0 : i32
      %dma_start3A_486 = tpu.memref_slice %arg6[%add3A_484, %dma_start3A_485] : memref<512x64xf32, #tpu.memory_space<vmem>> -> memref<1x64xf32, #tpu.memory_space<vmem>>
      %dma_start3A_487 = arith.constant 0 : i32
      %dma_start3A_488 = tpu.memref_slice %arg2[%squeeze3A_480, %dma_start3A_487] : memref<100000x64xf32, #tpu.memory_space<hbm>> -> memref<1x64xf32, #tpu.memory_space<hbm>>
      %dma_start3A_489 = arith.constant 0 : i32
      %dma_start3A_490 = tpu.memref_slice %arg6[%add3A_484, %dma_start3A_489] : memref<512x64xf32, #tpu.memory_space<vmem>> -> memref<1x64xf32, #tpu.memory_space<vmem>>
      %dma_start3A_491 = arith.constant 0 : i32
      %dma_start3A_492 = tpu.memref_slice %arg2[%squeeze3A_480, %dma_start3A_491] : memref<100000x64xf32, #tpu.memory_space<hbm>> -> memref<1x64xf32, #tpu.memory_space<hbm>>
      tpu.enqueue_dma source(%dma_start3A_492 : memref<1x64xf32, #tpu.memory_space<hbm>>) target(%dma_start3A_490 : memref<1x64xf32, #tpu.memory_space<vmem>>) target_semaphore(%arg8 : memref<!tpu.dma_semaphore, #tpu.memory_space<semaphore_mem>>)
      %slice3A_493 = vector.extract_strided_slice %get3A_436 {offsets = [4], sizes = [1], strides = [1]} : vector<16xi32> to vector<1xi32>
      %squeeze3A_494 = vector.extract %slice3A_493[0] : i32 from vector<1xi32>
      %mul3A_495 = arith.constant 16 : i32
      %mul3A_496 = arith.muli %add3A_431, %mul3A_495 : i32
      %add3A_497 = arith.constant 4 : i32
      %add3A_498 = arith.addi %mul3A_496, %add3A_497 : i32
      %dma_start3A_499 = arith.constant 0 : i32
      %dma_start3A_500 = tpu.memref_slice %arg6[%add3A_498, %dma_start3A_499] : memref<512x64xf32, #tpu.memory_space<vmem>> -> memref<1x64xf32, #tpu.memory_space<vmem>>
      %dma_start3A_501 = arith.constant 0 : i32
      %dma_start3A_502 = tpu.memref_slice %arg2[%squeeze3A_494, %dma_start3A_501] : memref<100000x64xf32, #tpu.memory_space<hbm>> -> memref<1x64xf32, #tpu.memory_space<hbm>>
      %dma_start3A_503 = arith.constant 0 : i32
      %dma_start3A_504 = tpu.memref_slice %arg6[%add3A_498, %dma_start3A_503] : memref<512x64xf32, #tpu.memory_space<vmem>> -> memref<1x64xf32, #tpu.memory_space<vmem>>
      %dma_start3A_505 = arith.constant 0 : i32
      %dma_start3A_506 = tpu.memref_slice %arg2[%squeeze3A_494, %dma_start3A_505] : memref<100000x64xf32, #tpu.memory_space<hbm>> -> memref<1x64xf32, #tpu.memory_space<hbm>>
      tpu.enqueue_dma source(%dma_start3A_506 : memref<1x64xf32, #tpu.memory_space<hbm>>) target(%dma_start3A_504 : memref<1x64xf32, #tpu.memory_space<vmem>>) target_semaphore(%arg8 : memref<!tpu.dma_semaphore, #tpu.memory_space<semaphore_mem>>)
      %slice3A_507 = vector.extract_strided_slice %get3A_436 {offsets = [5], sizes = [1], strides = [1]} : vector<16xi32> to vector<1xi32>
      %squeeze3A_508 = vector.extract %slice3A_507[0] : i32 from vector<1xi32>
      %mul3A_509 = arith.constant 16 : i32
      %mul3A_510 = arith.muli %add3A_431, %mul3A_509 : i32
      %add3A_511 = arith.constant 5 : i32
      %add3A_512 = arith.addi %mul3A_510, %add3A_511 : i32
      %dma_start3A_513 = arith.constant 0 : i32
      %dma_start3A_514 = tpu.memref_slice %arg6[%add3A_512, %dma_start3A_513] : memref<512x64xf32, #tpu.memory_space<vmem>> -> memref<1x64xf32, #tpu.memory_space<vmem>>
      %dma_start3A_515 = arith.constant 0 : i32
      %dma_start3A_516 = tpu.memref_slice %arg2[%squeeze3A_508, %dma_start3A_515] : memref<100000x64xf32, #tpu.memory_space<hbm>> -> memref<1x64xf32, #tpu.memory_space<hbm>>
      %dma_start3A_517 = arith.constant 0 : i32
      %dma_start3A_518 = tpu.memref_slice %arg6[%add3A_512, %dma_start3A_517] : memref<512x64xf32, #tpu.memory_space<vmem>> -> memref<1x64xf32, #tpu.memory_space<vmem>>
      %dma_start3A_519 = arith.constant 0 : i32
      %dma_start3A_520 = tpu.memref_slice %arg2[%squeeze3A_508, %dma_start3A_519] : memref<100000x64xf32, #tpu.memory_space<hbm>> -> memref<1x64xf32, #tpu.memory_space<hbm>>
      tpu.enqueue_dma source(%dma_start3A_520 : memref<1x64xf32, #tpu.memory_space<hbm>>) target(%dma_start3A_518 : memref<1x64xf32, #tpu.memory_space<vmem>>) target_semaphore(%arg8 : memref<!tpu.dma_semaphore, #tpu.memory_space<semaphore_mem>>)
      %slice3A_521 = vector.extract_strided_slice %get3A_436 {offsets = [6], sizes = [1], strides = [1]} : vector<16xi32> to vector<1xi32>
      %squeeze3A_522 = vector.extract %slice3A_521[0] : i32 from vector<1xi32>
      %mul3A_523 = arith.constant 16 : i32
      %mul3A_524 = arith.muli %add3A_431, %mul3A_523 : i32
      %add3A_525 = arith.constant 6 : i32
      %add3A_526 = arith.addi %mul3A_524, %add3A_525 : i32
      %dma_start3A_527 = arith.constant 0 : i32
      %dma_start3A_528 = tpu.memref_slice %arg6[%add3A_526, %dma_start3A_527] : memref<512x64xf32, #tpu.memory_space<vmem>> -> memref<1x64xf32, #tpu.memory_space<vmem>>
      %dma_start3A_529 = arith.constant 0 : i32
      %dma_start3A_530 = tpu.memref_slice %arg2[%squeeze3A_522, %dma_start3A_529] : memref<100000x64xf32, #tpu.memory_space<hbm>> -> memref<1x64xf32, #tpu.memory_space<hbm>>
      %dma_start3A_531 = arith.constant 0 : i32
      %dma_start3A_532 = tpu.memref_slice %arg6[%add3A_526, %dma_start3A_531] : memref<512x64xf32, #tpu.memory_space<vmem>> -> memref<1x64xf32, #tpu.memory_space<vmem>>
      %dma_start3A_533 = arith.constant 0 : i32
      %dma_start3A_534 = tpu.memref_slice %arg2[%squeeze3A_522, %dma_start3A_533] : memref<100000x64xf32, #tpu.memory_space<hbm>> -> memref<1x64xf32, #tpu.memory_space<hbm>>
      tpu.enqueue_dma source(%dma_start3A_534 : memref<1x64xf32, #tpu.memory_space<hbm>>) target(%dma_start3A_532 : memref<1x64xf32, #tpu.memory_space<vmem>>) target_semaphore(%arg8 : memref<!tpu.dma_semaphore, #tpu.memory_space<semaphore_mem>>)
      %slice3A_535 = vector.extract_strided_slice %get3A_436 {offsets = [7], sizes = [1], strides = [1]} : vector<16xi32> to vector<1xi32>
      %squeeze3A_536 = vector.extract %slice3A_535[0] : i32 from vector<1xi32>
      %mul3A_537 = arith.constant 16 : i32
      %mul3A_538 = arith.muli %add3A_431, %mul3A_537 : i32
      %add3A_539 = arith.constant 7 : i32
      %add3A_540 = arith.addi %mul3A_538, %add3A_539 : i32
      %dma_start3A_541 = arith.constant 0 : i32
      %dma_start3A_542 = tpu.memref_slice %arg6[%add3A_540, %dma_start3A_541] : memref<512x64xf32, #tpu.memory_space<vmem>> -> memref<1x64xf32, #tpu.memory_space<vmem>>
      %dma_start3A_543 = arith.constant 0 : i32
      %dma_start3A_544 = tpu.memref_slice %arg2[%squeeze3A_536, %dma_start3A_543] : memref<100000x64xf32, #tpu.memory_space<hbm>> -> memref<1x64xf32, #tpu.memory_space<hbm>>
      %dma_start3A_545 = arith.constant 0 : i32
      %dma_start3A_546 = tpu.memref_slice %arg6[%add3A_540, %dma_start3A_545] : memref<512x64xf32, #tpu.memory_space<vmem>> -> memref<1x64xf32, #tpu.memory_space<vmem>>
      %dma_start3A_547 = arith.constant 0 : i32
      %dma_start3A_548 = tpu.memref_slice %arg2[%squeeze3A_536, %dma_start3A_547] : memref<100000x64xf32, #tpu.memory_space<hbm>> -> memref<1x64xf32, #tpu.memory_space<hbm>>
      tpu.enqueue_dma source(%dma_start3A_548 : memref<1x64xf32, #tpu.memory_space<hbm>>) target(%dma_start3A_546 : memref<1x64xf32, #tpu.memory_space<vmem>>) target_semaphore(%arg8 : memref<!tpu.dma_semaphore, #tpu.memory_space<semaphore_mem>>)
      %slice3A_549 = vector.extract_strided_slice %get3A_436 {offsets = [8], sizes = [1], strides = [1]} : vector<16xi32> to vector<1xi32>
      %squeeze3A_550 = vector.extract %slice3A_549[0] : i32 from vector<1xi32>
      %mul3A_551 = arith.constant 16 : i32
      %mul3A_552 = arith.muli %add3A_431, %mul3A_551 : i32
      %add3A_553 = arith.constant 8 : i32
      %add3A_554 = arith.addi %mul3A_552, %add3A_553 : i32
      %dma_start3A_555 = arith.constant 0 : i32
      %dma_start3A_556 = tpu.memref_slice %arg6[%add3A_554, %dma_start3A_555] : memref<512x64xf32, #tpu.memory_space<vmem>> -> memref<1x64xf32, #tpu.memory_space<vmem>>
      %dma_start3A_557 = arith.constant 0 : i32
      %dma_start3A_558 = tpu.memref_slice %arg2[%squeeze3A_550, %dma_start3A_557] : memref<100000x64xf32, #tpu.memory_space<hbm>> -> memref<1x64xf32, #tpu.memory_space<hbm>>
      %dma_start3A_559 = arith.constant 0 : i32
      %dma_start3A_560 = tpu.memref_slice %arg6[%add3A_554, %dma_start3A_559] : memref<512x64xf32, #tpu.memory_space<vmem>> -> memref<1x64xf32, #tpu.memory_space<vmem>>
      %dma_start3A_561 = arith.constant 0 : i32
      %dma_start3A_562 = tpu.memref_slice %arg2[%squeeze3A_550, %dma_start3A_561] : memref<100000x64xf32, #tpu.memory_space<hbm>> -> memref<1x64xf32, #tpu.memory_space<hbm>>
      tpu.enqueue_dma source(%dma_start3A_562 : memref<1x64xf32, #tpu.memory_space<hbm>>) target(%dma_start3A_560 : memref<1x64xf32, #tpu.memory_space<vmem>>) target_semaphore(%arg8 : memref<!tpu.dma_semaphore, #tpu.memory_space<semaphore_mem>>)
      %slice3A_563 = vector.extract_strided_slice %get3A_436 {offsets = [9], sizes = [1], strides = [1]} : vector<16xi32> to vector<1xi32>
      %squeeze3A_564 = vector.extract %slice3A_563[0] : i32 from vector<1xi32>
      %mul3A_565 = arith.constant 16 : i32
      %mul3A_566 = arith.muli %add3A_431, %mul3A_565 : i32
      %add3A_567 = arith.constant 9 : i32
      %add3A_568 = arith.addi %mul3A_566, %add3A_567 : i32
      %dma_start3A_569 = arith.constant 0 : i32
      %dma_start3A_570 = tpu.memref_slice %arg6[%add3A_568, %dma_start3A_569] : memref<512x64xf32, #tpu.memory_space<vmem>> -> memref<1x64xf32, #tpu.memory_space<vmem>>
      %dma_start3A_571 = arith.constant 0 : i32
      %dma_start3A_572 = tpu.memref_slice %arg2[%squeeze3A_564, %dma_start3A_571] : memref<100000x64xf32, #tpu.memory_space<hbm>> -> memref<1x64xf32, #tpu.memory_space<hbm>>
      %dma_start3A_573 = arith.constant 0 : i32
      %dma_start3A_574 = tpu.memref_slice %arg6[%add3A_568, %dma_start3A_573] : memref<512x64xf32, #tpu.memory_space<vmem>> -> memref<1x64xf32, #tpu.memory_space<vmem>>
      %dma_start3A_575 = arith.constant 0 : i32
      %dma_start3A_576 = tpu.memref_slice %arg2[%squeeze3A_564, %dma_start3A_575] : memref<100000x64xf32, #tpu.memory_space<hbm>> -> memref<1x64xf32, #tpu.memory_space<hbm>>
      tpu.enqueue_dma source(%dma_start3A_576 : memref<1x64xf32, #tpu.memory_space<hbm>>) target(%dma_start3A_574 : memref<1x64xf32, #tpu.memory_space<vmem>>) target_semaphore(%arg8 : memref<!tpu.dma_semaphore, #tpu.memory_space<semaphore_mem>>)
      %slice3A_577 = vector.extract_strided_slice %get3A_436 {offsets = [10], sizes = [1], strides = [1]} : vector<16xi32> to vector<1xi32>
      %squeeze3A_578 = vector.extract %slice3A_577[0] : i32 from vector<1xi32>
      %mul3A_579 = arith.constant 16 : i32
      %mul3A_580 = arith.muli %add3A_431, %mul3A_579 : i32
      %add3A_581 = arith.constant 10 : i32
      %add3A_582 = arith.addi %mul3A_580, %add3A_581 : i32
      %dma_start3A_583 = arith.constant 0 : i32
      %dma_start3A_584 = tpu.memref_slice %arg6[%add3A_582, %dma_start3A_583] : memref<512x64xf32, #tpu.memory_space<vmem>> -> memref<1x64xf32, #tpu.memory_space<vmem>>
      %dma_start3A_585 = arith.constant 0 : i32
      %dma_start3A_586 = tpu.memref_slice %arg2[%squeeze3A_578, %dma_start3A_585] : memref<100000x64xf32, #tpu.memory_space<hbm>> -> memref<1x64xf32, #tpu.memory_space<hbm>>
      %dma_start3A_587 = arith.constant 0 : i32
      %dma_start3A_588 = tpu.memref_slice %arg6[%add3A_582, %dma_start3A_587] : memref<512x64xf32, #tpu.memory_space<vmem>> -> memref<1x64xf32, #tpu.memory_space<vmem>>
      %dma_start3A_589 = arith.constant 0 : i32
      %dma_start3A_590 = tpu.memref_slice %arg2[%squeeze3A_578, %dma_start3A_589] : memref<100000x64xf32, #tpu.memory_space<hbm>> -> memref<1x64xf32, #tpu.memory_space<hbm>>
      tpu.enqueue_dma source(%dma_start3A_590 : memref<1x64xf32, #tpu.memory_space<hbm>>) target(%dma_start3A_588 : memref<1x64xf32, #tpu.memory_space<vmem>>) target_semaphore(%arg8 : memref<!tpu.dma_semaphore, #tpu.memory_space<semaphore_mem>>)
      %slice3A_591 = vector.extract_strided_slice %get3A_436 {offsets = [11], sizes = [1], strides = [1]} : vector<16xi32> to vector<1xi32>
      %squeeze3A_592 = vector.extract %slice3A_591[0] : i32 from vector<1xi32>
      %mul3A_593 = arith.constant 16 : i32
      %mul3A_594 = arith.muli %add3A_431, %mul3A_593 : i32
      %add3A_595 = arith.constant 11 : i32
      %add3A_596 = arith.addi %mul3A_594, %add3A_595 : i32
      %dma_start3A_597 = arith.constant 0 : i32
      %dma_start3A_598 = tpu.memref_slice %arg6[%add3A_596, %dma_start3A_597] : memref<512x64xf32, #tpu.memory_space<vmem>> -> memref<1x64xf32, #tpu.memory_space<vmem>>
      %dma_start3A_599 = arith.constant 0 : i32
      %dma_start3A_600 = tpu.memref_slice %arg2[%squeeze3A_592, %dma_start3A_599] : memref<100000x64xf32, #tpu.memory_space<hbm>> -> memref<1x64xf32, #tpu.memory_space<hbm>>
      %dma_start3A_601 = arith.constant 0 : i32
      %dma_start3A_602 = tpu.memref_slice %arg6[%add3A_596, %dma_start3A_601] : memref<512x64xf32, #tpu.memory_space<vmem>> -> memref<1x64xf32, #tpu.memory_space<vmem>>
      %dma_start3A_603 = arith.constant 0 : i32
      %dma_start3A_604 = tpu.memref_slice %arg2[%squeeze3A_592, %dma_start3A_603] : memref<100000x64xf32, #tpu.memory_space<hbm>> -> memref<1x64xf32, #tpu.memory_space<hbm>>
      tpu.enqueue_dma source(%dma_start3A_604 : memref<1x64xf32, #tpu.memory_space<hbm>>) target(%dma_start3A_602 : memref<1x64xf32, #tpu.memory_space<vmem>>) target_semaphore(%arg8 : memref<!tpu.dma_semaphore, #tpu.memory_space<semaphore_mem>>)
      %slice3A_605 = vector.extract_strided_slice %get3A_436 {offsets = [12], sizes = [1], strides = [1]} : vector<16xi32> to vector<1xi32>
      %squeeze3A_606 = vector.extract %slice3A_605[0] : i32 from vector<1xi32>
      %mul3A_607 = arith.constant 16 : i32
      %mul3A_608 = arith.muli %add3A_431, %mul3A_607 : i32
      %add3A_609 = arith.constant 12 : i32
      %add3A_610 = arith.addi %mul3A_608, %add3A_609 : i32
      %dma_start3A_611 = arith.constant 0 : i32
      %dma_start3A_612 = tpu.memref_slice %arg6[%add3A_610, %dma_start3A_611] : memref<512x64xf32, #tpu.memory_space<vmem>> -> memref<1x64xf32, #tpu.memory_space<vmem>>
      %dma_start3A_613 = arith.constant 0 : i32
      %dma_start3A_614 = tpu.memref_slice %arg2[%squeeze3A_606, %dma_start3A_613] : memref<100000x64xf32, #tpu.memory_space<hbm>> -> memref<1x64xf32, #tpu.memory_space<hbm>>
      %dma_start3A_615 = arith.constant 0 : i32
      %dma_start3A_616 = tpu.memref_slice %arg6[%add3A_610, %dma_start3A_615] : memref<512x64xf32, #tpu.memory_space<vmem>> -> memref<1x64xf32, #tpu.memory_space<vmem>>
      %dma_start3A_617 = arith.constant 0 : i32
      %dma_start3A_618 = tpu.memref_slice %arg2[%squeeze3A_606, %dma_start3A_617] : memref<100000x64xf32, #tpu.memory_space<hbm>> -> memref<1x64xf32, #tpu.memory_space<hbm>>
      tpu.enqueue_dma source(%dma_start3A_618 : memref<1x64xf32, #tpu.memory_space<hbm>>) target(%dma_start3A_616 : memref<1x64xf32, #tpu.memory_space<vmem>>) target_semaphore(%arg8 : memref<!tpu.dma_semaphore, #tpu.memory_space<semaphore_mem>>)
      %slice3A_619 = vector.extract_strided_slice %get3A_436 {offsets = [13], sizes = [1], strides = [1]} : vector<16xi32> to vector<1xi32>
      %squeeze3A_620 = vector.extract %slice3A_619[0] : i32 from vector<1xi32>
      %mul3A_621 = arith.constant 16 : i32
      %mul3A_622 = arith.muli %add3A_431, %mul3A_621 : i32
      %add3A_623 = arith.constant 13 : i32
      %add3A_624 = arith.addi %mul3A_622, %add3A_623 : i32
      %dma_start3A_625 = arith.constant 0 : i32
      %dma_start3A_626 = tpu.memref_slice %arg6[%add3A_624, %dma_start3A_625] : memref<512x64xf32, #tpu.memory_space<vmem>> -> memref<1x64xf32, #tpu.memory_space<vmem>>
      %dma_start3A_627 = arith.constant 0 : i32
      %dma_start3A_628 = tpu.memref_slice %arg2[%squeeze3A_620, %dma_start3A_627] : memref<100000x64xf32, #tpu.memory_space<hbm>> -> memref<1x64xf32, #tpu.memory_space<hbm>>
      %dma_start3A_629 = arith.constant 0 : i32
      %dma_start3A_630 = tpu.memref_slice %arg6[%add3A_624, %dma_start3A_629] : memref<512x64xf32, #tpu.memory_space<vmem>> -> memref<1x64xf32, #tpu.memory_space<vmem>>
      %dma_start3A_631 = arith.constant 0 : i32
      %dma_start3A_632 = tpu.memref_slice %arg2[%squeeze3A_620, %dma_start3A_631] : memref<100000x64xf32, #tpu.memory_space<hbm>> -> memref<1x64xf32, #tpu.memory_space<hbm>>
      tpu.enqueue_dma source(%dma_start3A_632 : memref<1x64xf32, #tpu.memory_space<hbm>>) target(%dma_start3A_630 : memref<1x64xf32, #tpu.memory_space<vmem>>) target_semaphore(%arg8 : memref<!tpu.dma_semaphore, #tpu.memory_space<semaphore_mem>>)
      %slice3A_633 = vector.extract_strided_slice %get3A_436 {offsets = [14], sizes = [1], strides = [1]} : vector<16xi32> to vector<1xi32>
      %squeeze3A_634 = vector.extract %slice3A_633[0] : i32 from vector<1xi32>
      %mul3A_635 = arith.constant 16 : i32
      %mul3A_636 = arith.muli %add3A_431, %mul3A_635 : i32
      %add3A_637 = arith.constant 14 : i32
      %add3A_638 = arith.addi %mul3A_636, %add3A_637 : i32
      %dma_start3A_639 = arith.constant 0 : i32
      %dma_start3A_640 = tpu.memref_slice %arg6[%add3A_638, %dma_start3A_639] : memref<512x64xf32, #tpu.memory_space<vmem>> -> memref<1x64xf32, #tpu.memory_space<vmem>>
      %dma_start3A_641 = arith.constant 0 : i32
      %dma_start3A_642 = tpu.memref_slice %arg2[%squeeze3A_634, %dma_start3A_641] : memref<100000x64xf32, #tpu.memory_space<hbm>> -> memref<1x64xf32, #tpu.memory_space<hbm>>
      %dma_start3A_643 = arith.constant 0 : i32
      %dma_start3A_644 = tpu.memref_slice %arg6[%add3A_638, %dma_start3A_643] : memref<512x64xf32, #tpu.memory_space<vmem>> -> memref<1x64xf32, #tpu.memory_space<vmem>>
      %dma_start3A_645 = arith.constant 0 : i32
      %dma_start3A_646 = tpu.memref_slice %arg2[%squeeze3A_634, %dma_start3A_645] : memref<100000x64xf32, #tpu.memory_space<hbm>> -> memref<1x64xf32, #tpu.memory_space<hbm>>
      tpu.enqueue_dma source(%dma_start3A_646 : memref<1x64xf32, #tpu.memory_space<hbm>>) target(%dma_start3A_644 : memref<1x64xf32, #tpu.memory_space<vmem>>) target_semaphore(%arg8 : memref<!tpu.dma_semaphore, #tpu.memory_space<semaphore_mem>>)
      %slice3A_647 = vector.extract_strided_slice %get3A_436 {offsets = [15], sizes = [1], strides = [1]} : vector<16xi32> to vector<1xi32>
      %squeeze3A_648 = vector.extract %slice3A_647[0] : i32 from vector<1xi32>
      %mul3A_649 = arith.constant 16 : i32
      %mul3A_650 = arith.muli %add3A_431, %mul3A_649 : i32
      %add3A_651 = arith.constant 15 : i32
      %add3A_652 = arith.addi %mul3A_650, %add3A_651 : i32
      %dma_start3A_653 = arith.constant 0 : i32
      %dma_start3A_654 = tpu.memref_slice %arg6[%add3A_652, %dma_start3A_653] : memref<512x64xf32, #tpu.memory_space<vmem>> -> memref<1x64xf32, #tpu.memory_space<vmem>>
      %dma_start3A_655 = arith.constant 0 : i32
      %dma_start3A_656 = tpu.memref_slice %arg2[%squeeze3A_648, %dma_start3A_655] : memref<100000x64xf32, #tpu.memory_space<hbm>> -> memref<1x64xf32, #tpu.memory_space<hbm>>
      %dma_start3A_657 = arith.constant 0 : i32
      %dma_start3A_658 = tpu.memref_slice %arg6[%add3A_652, %dma_start3A_657] : memref<512x64xf32, #tpu.memory_space<vmem>> -> memref<1x64xf32, #tpu.memory_space<vmem>>
      %dma_start3A_659 = arith.constant 0 : i32
      %dma_start3A_660 = tpu.memref_slice %arg2[%squeeze3A_648, %dma_start3A_659] : memref<100000x64xf32, #tpu.memory_space<hbm>> -> memref<1x64xf32, #tpu.memory_space<hbm>>
      tpu.enqueue_dma source(%dma_start3A_660 : memref<1x64xf32, #tpu.memory_space<hbm>>) target(%dma_start3A_658 : memref<1x64xf32, #tpu.memory_space<vmem>>) target_semaphore(%arg8 : memref<!tpu.dma_semaphore, #tpu.memory_space<semaphore_mem>>)
      %ge3A = arith.constant 16 : i32
      %ge3A_661 = arith.cmpi sge, %mul3A_204, %ge3A : i32
      %convert_element_type3A = arith.extui %ge3A_661 : i1 to i32
      %cond3A = arith.constant 0 : i32
      %cond3A_662 = arith.cmpi ne, %convert_element_type3A, %cond3A : i32
      scf.if %cond3A_662 {
        %dma_wait3A_663 = arith.constant 0 : i32
        %dma_wait3A_664 = arith.constant 0 : i32
        %dma_wait3A_665 = tpu.memref_slice %arg6[%dma_wait3A_663, %dma_wait3A_664] : memref<512x64xf32, #tpu.memory_space<vmem>> -> memref<16x64xf32, #tpu.memory_space<vmem>>
        %dma_wait3A_666 = arith.constant 0 : i32
        %dma_wait3A_667 = arith.constant 0 : i32
        %dma_wait3A_668 = tpu.memref_slice %arg2[%dma_wait3A_666, %dma_wait3A_667] : memref<100000x64xf32, #tpu.memory_space<hbm>> -> memref<16x64xf32, #tpu.memory_space<hbm>>
        %dma_wait3A_669 = arith.constant 0 : i32
        %dma_wait3A_670 = arith.constant 0 : i32
        %dma_wait3A_671 = tpu.memref_slice %arg6[%dma_wait3A_669, %dma_wait3A_670] : memref<512x64xf32, #tpu.memory_space<vmem>> -> memref<16x64xf32, #tpu.memory_space<vmem>>
        %dma_wait3A_672 = arith.constant 0 : i32
        %dma_wait3A_673 = arith.constant 0 : i32
        %dma_wait3A_674 = tpu.memref_slice %arg2[%dma_wait3A_672, %dma_wait3A_673] : memref<100000x64xf32, #tpu.memory_space<hbm>> -> memref<16x64xf32, #tpu.memory_space<hbm>>
        tpu.wait_dma2 semaphore(%arg7 : memref<!tpu.dma_semaphore, #tpu.memory_space<semaphore_mem>>) src(%dma_wait3A_674 : memref<16x64xf32, #tpu.memory_space<hbm>>) dst(%dma_wait3A_671 : memref<16x64xf32, #tpu.memory_space<vmem>>)
        %dma_wait3A_675 = arith.constant 0 : i32
        %dma_wait3A_676 = arith.constant 0 : i32
        %dma_wait3A_677 = tpu.memref_slice %arg6[%dma_wait3A_675, %dma_wait3A_676] : memref<512x64xf32, #tpu.memory_space<vmem>> -> memref<16x64xf32, #tpu.memory_space<vmem>>
        %dma_wait3A_678 = arith.constant 0 : i32
        %dma_wait3A_679 = arith.constant 0 : i32
        %dma_wait3A_680 = tpu.memref_slice %arg2[%dma_wait3A_678, %dma_wait3A_679] : memref<100000x64xf32, #tpu.memory_space<hbm>> -> memref<16x64xf32, #tpu.memory_space<hbm>>
        %dma_wait3A_681 = arith.constant 0 : i32
        %dma_wait3A_682 = arith.constant 0 : i32
        %dma_wait3A_683 = tpu.memref_slice %arg6[%dma_wait3A_681, %dma_wait3A_682] : memref<512x64xf32, #tpu.memory_space<vmem>> -> memref<16x64xf32, #tpu.memory_space<vmem>>
        %dma_wait3A_684 = arith.constant 0 : i32
        %dma_wait3A_685 = arith.constant 0 : i32
        %dma_wait3A_686 = tpu.memref_slice %arg2[%dma_wait3A_684, %dma_wait3A_685] : memref<100000x64xf32, #tpu.memory_space<hbm>> -> memref<16x64xf32, #tpu.memory_space<hbm>>
        tpu.wait_dma2 semaphore(%arg8 : memref<!tpu.dma_semaphore, #tpu.memory_space<semaphore_mem>>) src(%dma_wait3A_686 : memref<16x64xf32, #tpu.memory_space<hbm>>) dst(%dma_wait3A_683 : memref<16x64xf32, #tpu.memory_space<vmem>>)
      } else {
      }
    }
    %scan3A_6 = arith.constant 16 : i32
    %dma_wait3A = arith.constant 0 : i32
    %dma_wait3A_7 = arith.constant 0 : i32
    %dma_wait3A_8 = tpu.memref_slice %arg6[%dma_wait3A, %dma_wait3A_7] : memref<512x64xf32, #tpu.memory_space<vmem>> -> memref<16x64xf32, #tpu.memory_space<vmem>>
    %dma_wait3A_9 = arith.constant 0 : i32
    %dma_wait3A_10 = arith.constant 0 : i32
    %dma_wait3A_11 = tpu.memref_slice %arg2[%dma_wait3A_9, %dma_wait3A_10] : memref<100000x64xf32, #tpu.memory_space<hbm>> -> memref<16x64xf32, #tpu.memory_space<hbm>>
    %dma_wait3A_12 = arith.constant 0 : i32
    %dma_wait3A_13 = arith.constant 0 : i32
    %dma_wait3A_14 = tpu.memref_slice %arg6[%dma_wait3A_12, %dma_wait3A_13] : memref<512x64xf32, #tpu.memory_space<vmem>> -> memref<16x64xf32, #tpu.memory_space<vmem>>
    %dma_wait3A_15 = arith.constant 0 : i32
    %dma_wait3A_16 = arith.constant 0 : i32
    %dma_wait3A_17 = tpu.memref_slice %arg2[%dma_wait3A_15, %dma_wait3A_16] : memref<100000x64xf32, #tpu.memory_space<hbm>> -> memref<16x64xf32, #tpu.memory_space<hbm>>
    tpu.wait_dma2 semaphore(%arg7 : memref<!tpu.dma_semaphore, #tpu.memory_space<semaphore_mem>>) src(%dma_wait3A_17 : memref<16x64xf32, #tpu.memory_space<hbm>>) dst(%dma_wait3A_14 : memref<16x64xf32, #tpu.memory_space<vmem>>)
    %dma_wait3A_18 = arith.constant 0 : i32
    %dma_wait3A_19 = arith.constant 0 : i32
    %dma_wait3A_20 = tpu.memref_slice %arg6[%dma_wait3A_18, %dma_wait3A_19] : memref<512x64xf32, #tpu.memory_space<vmem>> -> memref<16x64xf32, #tpu.memory_space<vmem>>
    %dma_wait3A_21 = arith.constant 0 : i32
    %dma_wait3A_22 = arith.constant 0 : i32
    %dma_wait3A_23 = tpu.memref_slice %arg2[%dma_wait3A_21, %dma_wait3A_22] : memref<100000x64xf32, #tpu.memory_space<hbm>> -> memref<16x64xf32, #tpu.memory_space<hbm>>
    %dma_wait3A_24 = arith.constant 0 : i32
    %dma_wait3A_25 = arith.constant 0 : i32
    %dma_wait3A_26 = tpu.memref_slice %arg6[%dma_wait3A_24, %dma_wait3A_25] : memref<512x64xf32, #tpu.memory_space<vmem>> -> memref<16x64xf32, #tpu.memory_space<vmem>>
    %dma_wait3A_27 = arith.constant 0 : i32
    %dma_wait3A_28 = arith.constant 0 : i32
    %dma_wait3A_29 = tpu.memref_slice %arg2[%dma_wait3A_27, %dma_wait3A_28] : memref<100000x64xf32, #tpu.memory_space<hbm>> -> memref<16x64xf32, #tpu.memory_space<hbm>>
    tpu.wait_dma2 semaphore(%arg8 : memref<!tpu.dma_semaphore, #tpu.memory_space<semaphore_mem>>) src(%dma_wait3A_29 : memref<16x64xf32, #tpu.memory_space<hbm>>) dst(%dma_wait3A_26 : memref<16x64xf32, #tpu.memory_space<vmem>>)
    %dma_wait3A_30 = arith.constant 0 : i32
    %dma_wait3A_31 = arith.constant 0 : i32
    %dma_wait3A_32 = tpu.memref_slice %arg6[%dma_wait3A_30, %dma_wait3A_31] : memref<512x64xf32, #tpu.memory_space<vmem>> -> memref<16x64xf32, #tpu.memory_space<vmem>>
    %dma_wait3A_33 = arith.constant 0 : i32
    %dma_wait3A_34 = arith.constant 0 : i32
    %dma_wait3A_35 = tpu.memref_slice %arg2[%dma_wait3A_33, %dma_wait3A_34] : memref<100000x64xf32, #tpu.memory_space<hbm>> -> memref<16x64xf32, #tpu.memory_space<hbm>>
    %dma_wait3A_36 = arith.constant 0 : i32
    %dma_wait3A_37 = arith.constant 0 : i32
    %dma_wait3A_38 = tpu.memref_slice %arg6[%dma_wait3A_36, %dma_wait3A_37] : memref<512x64xf32, #tpu.memory_space<vmem>> -> memref<16x64xf32, #tpu.memory_space<vmem>>
    %dma_wait3A_39 = arith.constant 0 : i32
    %dma_wait3A_40 = arith.constant 0 : i32
    %dma_wait3A_41 = tpu.memref_slice %arg2[%dma_wait3A_39, %dma_wait3A_40] : memref<100000x64xf32, #tpu.memory_space<hbm>> -> memref<16x64xf32, #tpu.memory_space<hbm>>
    tpu.wait_dma2 semaphore(%arg7 : memref<!tpu.dma_semaphore, #tpu.memory_space<semaphore_mem>>) src(%dma_wait3A_41 : memref<16x64xf32, #tpu.memory_space<hbm>>) dst(%dma_wait3A_38 : memref<16x64xf32, #tpu.memory_space<vmem>>)
    %dma_wait3A_42 = arith.constant 0 : i32
    %dma_wait3A_43 = arith.constant 0 : i32
    %dma_wait3A_44 = tpu.memref_slice %arg6[%dma_wait3A_42, %dma_wait3A_43] : memref<512x64xf32, #tpu.memory_space<vmem>> -> memref<16x64xf32, #tpu.memory_space<vmem>>
    %dma_wait3A_45 = arith.constant 0 : i32
    %dma_wait3A_46 = arith.constant 0 : i32
    %dma_wait3A_47 = tpu.memref_slice %arg2[%dma_wait3A_45, %dma_wait3A_46] : memref<100000x64xf32, #tpu.memory_space<hbm>> -> memref<16x64xf32, #tpu.memory_space<hbm>>
    %dma_wait3A_48 = arith.constant 0 : i32
    %dma_wait3A_49 = arith.constant 0 : i32
    %dma_wait3A_50 = tpu.memref_slice %arg6[%dma_wait3A_48, %dma_wait3A_49] : memref<512x64xf32, #tpu.memory_space<vmem>> -> memref<16x64xf32, #tpu.memory_space<vmem>>
    %dma_wait3A_51 = arith.constant 0 : i32
    %dma_wait3A_52 = arith.constant 0 : i32
    %dma_wait3A_53 = tpu.memref_slice %arg2[%dma_wait3A_51, %dma_wait3A_52] : memref<100000x64xf32, #tpu.memory_space<hbm>> -> memref<16x64xf32, #tpu.memory_space<hbm>>
    tpu.wait_dma2 semaphore(%arg8 : memref<!tpu.dma_semaphore, #tpu.memory_space<semaphore_mem>>) src(%dma_wait3A_53 : memref<16x64xf32, #tpu.memory_space<hbm>>) dst(%dma_wait3A_50 : memref<16x64xf32, #tpu.memory_space<vmem>>)
    %dma_wait3A_54 = arith.constant 0 : i32
    %dma_wait3A_55 = arith.constant 0 : i32
    %dma_wait3A_56 = tpu.memref_slice %arg6[%dma_wait3A_54, %dma_wait3A_55] : memref<512x64xf32, #tpu.memory_space<vmem>> -> memref<16x64xf32, #tpu.memory_space<vmem>>
    %dma_wait3A_57 = arith.constant 0 : i32
    %dma_wait3A_58 = arith.constant 0 : i32
    %dma_wait3A_59 = tpu.memref_slice %arg2[%dma_wait3A_57, %dma_wait3A_58] : memref<100000x64xf32, #tpu.memory_space<hbm>> -> memref<16x64xf32, #tpu.memory_space<hbm>>
    %dma_wait3A_60 = arith.constant 0 : i32
    %dma_wait3A_61 = arith.constant 0 : i32
    %dma_wait3A_62 = tpu.memref_slice %arg6[%dma_wait3A_60, %dma_wait3A_61] : memref<512x64xf32, #tpu.memory_space<vmem>> -> memref<16x64xf32, #tpu.memory_space<vmem>>
    %dma_wait3A_63 = arith.constant 0 : i32
    %dma_wait3A_64 = arith.constant 0 : i32
    %dma_wait3A_65 = tpu.memref_slice %arg2[%dma_wait3A_63, %dma_wait3A_64] : memref<100000x64xf32, #tpu.memory_space<hbm>> -> memref<16x64xf32, #tpu.memory_space<hbm>>
    tpu.wait_dma2 semaphore(%arg7 : memref<!tpu.dma_semaphore, #tpu.memory_space<semaphore_mem>>) src(%dma_wait3A_65 : memref<16x64xf32, #tpu.memory_space<hbm>>) dst(%dma_wait3A_62 : memref<16x64xf32, #tpu.memory_space<vmem>>)
    %dma_wait3A_66 = arith.constant 0 : i32
    %dma_wait3A_67 = arith.constant 0 : i32
    %dma_wait3A_68 = tpu.memref_slice %arg6[%dma_wait3A_66, %dma_wait3A_67] : memref<512x64xf32, #tpu.memory_space<vmem>> -> memref<16x64xf32, #tpu.memory_space<vmem>>
    %dma_wait3A_69 = arith.constant 0 : i32
    %dma_wait3A_70 = arith.constant 0 : i32
    %dma_wait3A_71 = tpu.memref_slice %arg2[%dma_wait3A_69, %dma_wait3A_70] : memref<100000x64xf32, #tpu.memory_space<hbm>> -> memref<16x64xf32, #tpu.memory_space<hbm>>
    %dma_wait3A_72 = arith.constant 0 : i32
    %dma_wait3A_73 = arith.constant 0 : i32
    %dma_wait3A_74 = tpu.memref_slice %arg6[%dma_wait3A_72, %dma_wait3A_73] : memref<512x64xf32, #tpu.memory_space<vmem>> -> memref<16x64xf32, #tpu.memory_space<vmem>>
    %dma_wait3A_75 = arith.constant 0 : i32
    %dma_wait3A_76 = arith.constant 0 : i32
    %dma_wait3A_77 = tpu.memref_slice %arg2[%dma_wait3A_75, %dma_wait3A_76] : memref<100000x64xf32, #tpu.memory_space<hbm>> -> memref<16x64xf32, #tpu.memory_space<hbm>>
    tpu.wait_dma2 semaphore(%arg8 : memref<!tpu.dma_semaphore, #tpu.memory_space<semaphore_mem>>) src(%dma_wait3A_77 : memref<16x64xf32, #tpu.memory_space<hbm>>) dst(%dma_wait3A_74 : memref<16x64xf32, #tpu.memory_space<vmem>>)
    %dma_wait3A_78 = arith.constant 0 : i32
    %dma_wait3A_79 = arith.constant 0 : i32
    %dma_wait3A_80 = tpu.memref_slice %arg6[%dma_wait3A_78, %dma_wait3A_79] : memref<512x64xf32, #tpu.memory_space<vmem>> -> memref<16x64xf32, #tpu.memory_space<vmem>>
    %dma_wait3A_81 = arith.constant 0 : i32
    %dma_wait3A_82 = arith.constant 0 : i32
    %dma_wait3A_83 = tpu.memref_slice %arg2[%dma_wait3A_81, %dma_wait3A_82] : memref<100000x64xf32, #tpu.memory_space<hbm>> -> memref<16x64xf32, #tpu.memory_space<hbm>>
    %dma_wait3A_84 = arith.constant 0 : i32
    %dma_wait3A_85 = arith.constant 0 : i32
    %dma_wait3A_86 = tpu.memref_slice %arg6[%dma_wait3A_84, %dma_wait3A_85] : memref<512x64xf32, #tpu.memory_space<vmem>> -> memref<16x64xf32, #tpu.memory_space<vmem>>
    %dma_wait3A_87 = arith.constant 0 : i32
    %dma_wait3A_88 = arith.constant 0 : i32
    %dma_wait3A_89 = tpu.memref_slice %arg2[%dma_wait3A_87, %dma_wait3A_88] : memref<100000x64xf32, #tpu.memory_space<hbm>> -> memref<16x64xf32, #tpu.memory_space<hbm>>
    tpu.wait_dma2 semaphore(%arg7 : memref<!tpu.dma_semaphore, #tpu.memory_space<semaphore_mem>>) src(%dma_wait3A_89 : memref<16x64xf32, #tpu.memory_space<hbm>>) dst(%dma_wait3A_86 : memref<16x64xf32, #tpu.memory_space<vmem>>)
    %dma_wait3A_90 = arith.constant 0 : i32
    %dma_wait3A_91 = arith.constant 0 : i32
    %dma_wait3A_92 = tpu.memref_slice %arg6[%dma_wait3A_90, %dma_wait3A_91] : memref<512x64xf32, #tpu.memory_space<vmem>> -> memref<16x64xf32, #tpu.memory_space<vmem>>
    %dma_wait3A_93 = arith.constant 0 : i32
    %dma_wait3A_94 = arith.constant 0 : i32
    %dma_wait3A_95 = tpu.memref_slice %arg2[%dma_wait3A_93, %dma_wait3A_94] : memref<100000x64xf32, #tpu.memory_space<hbm>> -> memref<16x64xf32, #tpu.memory_space<hbm>>
    %dma_wait3A_96 = arith.constant 0 : i32
    %dma_wait3A_97 = arith.constant 0 : i32
    %dma_wait3A_98 = tpu.memref_slice %arg6[%dma_wait3A_96, %dma_wait3A_97] : memref<512x64xf32, #tpu.memory_space<vmem>> -> memref<16x64xf32, #tpu.memory_space<vmem>>
    %dma_wait3A_99 = arith.constant 0 : i32
    %dma_wait3A_100 = arith.constant 0 : i32
    %dma_wait3A_101 = tpu.memref_slice %arg2[%dma_wait3A_99, %dma_wait3A_100] : memref<100000x64xf32, #tpu.memory_space<hbm>> -> memref<16x64xf32, #tpu.memory_space<hbm>>
    tpu.wait_dma2 semaphore(%arg8 : memref<!tpu.dma_semaphore, #tpu.memory_space<semaphore_mem>>) src(%dma_wait3A_101 : memref<16x64xf32, #tpu.memory_space<hbm>>) dst(%dma_wait3A_98 : memref<16x64xf32, #tpu.memory_space<vmem>>)
    %dma_wait3A_102 = arith.constant 0 : i32
    %dma_wait3A_103 = arith.constant 0 : i32
    %dma_wait3A_104 = tpu.memref_slice %arg6[%dma_wait3A_102, %dma_wait3A_103] : memref<512x64xf32, #tpu.memory_space<vmem>> -> memref<16x64xf32, #tpu.memory_space<vmem>>
    %dma_wait3A_105 = arith.constant 0 : i32
    %dma_wait3A_106 = arith.constant 0 : i32
    %dma_wait3A_107 = tpu.memref_slice %arg2[%dma_wait3A_105, %dma_wait3A_106] : memref<100000x64xf32, #tpu.memory_space<hbm>> -> memref<16x64xf32, #tpu.memory_space<hbm>>
    %dma_wait3A_108 = arith.constant 0 : i32
    %dma_wait3A_109 = arith.constant 0 : i32
    %dma_wait3A_110 = tpu.memref_slice %arg6[%dma_wait3A_108, %dma_wait3A_109] : memref<512x64xf32, #tpu.memory_space<vmem>> -> memref<16x64xf32, #tpu.memory_space<vmem>>
    %dma_wait3A_111 = arith.constant 0 : i32
    %dma_wait3A_112 = arith.constant 0 : i32
    %dma_wait3A_113 = tpu.memref_slice %arg2[%dma_wait3A_111, %dma_wait3A_112] : memref<100000x64xf32, #tpu.memory_space<hbm>> -> memref<16x64xf32, #tpu.memory_space<hbm>>
    tpu.wait_dma2 semaphore(%arg7 : memref<!tpu.dma_semaphore, #tpu.memory_space<semaphore_mem>>) src(%dma_wait3A_113 : memref<16x64xf32, #tpu.memory_space<hbm>>) dst(%dma_wait3A_110 : memref<16x64xf32, #tpu.memory_space<vmem>>)
    %dma_wait3A_114 = arith.constant 0 : i32
    %dma_wait3A_115 = arith.constant 0 : i32
    %dma_wait3A_116 = tpu.memref_slice %arg6[%dma_wait3A_114, %dma_wait3A_115] : memref<512x64xf32, #tpu.memory_space<vmem>> -> memref<16x64xf32, #tpu.memory_space<vmem>>
    %dma_wait3A_117 = arith.constant 0 : i32
    %dma_wait3A_118 = arith.constant 0 : i32
    %dma_wait3A_119 = tpu.memref_slice %arg2[%dma_wait3A_117, %dma_wait3A_118] : memref<100000x64xf32, #tpu.memory_space<hbm>> -> memref<16x64xf32, #tpu.memory_space<hbm>>
    %dma_wait3A_120 = arith.constant 0 : i32
    %dma_wait3A_121 = arith.constant 0 : i32
    %dma_wait3A_122 = tpu.memref_slice %arg6[%dma_wait3A_120, %dma_wait3A_121] : memref<512x64xf32, #tpu.memory_space<vmem>> -> memref<16x64xf32, #tpu.memory_space<vmem>>
    %dma_wait3A_123 = arith.constant 0 : i32
    %dma_wait3A_124 = arith.constant 0 : i32
    %dma_wait3A_125 = tpu.memref_slice %arg2[%dma_wait3A_123, %dma_wait3A_124] : memref<100000x64xf32, #tpu.memory_space<hbm>> -> memref<16x64xf32, #tpu.memory_space<hbm>>
    tpu.wait_dma2 semaphore(%arg8 : memref<!tpu.dma_semaphore, #tpu.memory_space<semaphore_mem>>) src(%dma_wait3A_125 : memref<16x64xf32, #tpu.memory_space<hbm>>) dst(%dma_wait3A_122 : memref<16x64xf32, #tpu.memory_space<vmem>>)
    %dma_wait3A_126 = arith.constant 0 : i32
    %dma_wait3A_127 = arith.constant 0 : i32
    %dma_wait3A_128 = tpu.memref_slice %arg6[%dma_wait3A_126, %dma_wait3A_127] : memref<512x64xf32, #tpu.memory_space<vmem>> -> memref<16x64xf32, #tpu.memory_space<vmem>>
    %dma_wait3A_129 = arith.constant 0 : i32
    %dma_wait3A_130 = arith.constant 0 : i32
    %dma_wait3A_131 = tpu.memref_slice %arg2[%dma_wait3A_129, %dma_wait3A_130] : memref<100000x64xf32, #tpu.memory_space<hbm>> -> memref<16x64xf32, #tpu.memory_space<hbm>>
    %dma_wait3A_132 = arith.constant 0 : i32
    %dma_wait3A_133 = arith.constant 0 : i32
    %dma_wait3A_134 = tpu.memref_slice %arg6[%dma_wait3A_132, %dma_wait3A_133] : memref<512x64xf32, #tpu.memory_space<vmem>> -> memref<16x64xf32, #tpu.memory_space<vmem>>
    %dma_wait3A_135 = arith.constant 0 : i32
    %dma_wait3A_136 = arith.constant 0 : i32
    %dma_wait3A_137 = tpu.memref_slice %arg2[%dma_wait3A_135, %dma_wait3A_136] : memref<100000x64xf32, #tpu.memory_space<hbm>> -> memref<16x64xf32, #tpu.memory_space<hbm>>
    tpu.wait_dma2 semaphore(%arg7 : memref<!tpu.dma_semaphore, #tpu.memory_space<semaphore_mem>>) src(%dma_wait3A_137 : memref<16x64xf32, #tpu.memory_space<hbm>>) dst(%dma_wait3A_134 : memref<16x64xf32, #tpu.memory_space<vmem>>)
    %dma_wait3A_138 = arith.constant 0 : i32
    %dma_wait3A_139 = arith.constant 0 : i32
    %dma_wait3A_140 = tpu.memref_slice %arg6[%dma_wait3A_138, %dma_wait3A_139] : memref<512x64xf32, #tpu.memory_space<vmem>> -> memref<16x64xf32, #tpu.memory_space<vmem>>
    %dma_wait3A_141 = arith.constant 0 : i32
    %dma_wait3A_142 = arith.constant 0 : i32
    %dma_wait3A_143 = tpu.memref_slice %arg2[%dma_wait3A_141, %dma_wait3A_142] : memref<100000x64xf32, #tpu.memory_space<hbm>> -> memref<16x64xf32, #tpu.memory_space<hbm>>
    %dma_wait3A_144 = arith.constant 0 : i32
    %dma_wait3A_145 = arith.constant 0 : i32
    %dma_wait3A_146 = tpu.memref_slice %arg6[%dma_wait3A_144, %dma_wait3A_145] : memref<512x64xf32, #tpu.memory_space<vmem>> -> memref<16x64xf32, #tpu.memory_space<vmem>>
    %dma_wait3A_147 = arith.constant 0 : i32
    %dma_wait3A_148 = arith.constant 0 : i32
    %dma_wait3A_149 = tpu.memref_slice %arg2[%dma_wait3A_147, %dma_wait3A_148] : memref<100000x64xf32, #tpu.memory_space<hbm>> -> memref<16x64xf32, #tpu.memory_space<hbm>>
    tpu.wait_dma2 semaphore(%arg8 : memref<!tpu.dma_semaphore, #tpu.memory_space<semaphore_mem>>) src(%dma_wait3A_149 : memref<16x64xf32, #tpu.memory_space<hbm>>) dst(%dma_wait3A_146 : memref<16x64xf32, #tpu.memory_space<vmem>>)
    %dma_wait3A_150 = arith.constant 0 : i32
    %dma_wait3A_151 = arith.constant 0 : i32
    %dma_wait3A_152 = tpu.memref_slice %arg6[%dma_wait3A_150, %dma_wait3A_151] : memref<512x64xf32, #tpu.memory_space<vmem>> -> memref<16x64xf32, #tpu.memory_space<vmem>>
    %dma_wait3A_153 = arith.constant 0 : i32
    %dma_wait3A_154 = arith.constant 0 : i32
    %dma_wait3A_155 = tpu.memref_slice %arg2[%dma_wait3A_153, %dma_wait3A_154] : memref<100000x64xf32, #tpu.memory_space<hbm>> -> memref<16x64xf32, #tpu.memory_space<hbm>>
    %dma_wait3A_156 = arith.constant 0 : i32
    %dma_wait3A_157 = arith.constant 0 : i32
    %dma_wait3A_158 = tpu.memref_slice %arg6[%dma_wait3A_156, %dma_wait3A_157] : memref<512x64xf32, #tpu.memory_space<vmem>> -> memref<16x64xf32, #tpu.memory_space<vmem>>
    %dma_wait3A_159 = arith.constant 0 : i32
    %dma_wait3A_160 = arith.constant 0 : i32
    %dma_wait3A_161 = tpu.memref_slice %arg2[%dma_wait3A_159, %dma_wait3A_160] : memref<100000x64xf32, #tpu.memory_space<hbm>> -> memref<16x64xf32, #tpu.memory_space<hbm>>
    tpu.wait_dma2 semaphore(%arg7 : memref<!tpu.dma_semaphore, #tpu.memory_space<semaphore_mem>>) src(%dma_wait3A_161 : memref<16x64xf32, #tpu.memory_space<hbm>>) dst(%dma_wait3A_158 : memref<16x64xf32, #tpu.memory_space<vmem>>)
    %dma_wait3A_162 = arith.constant 0 : i32
    %dma_wait3A_163 = arith.constant 0 : i32
    %dma_wait3A_164 = tpu.memref_slice %arg6[%dma_wait3A_162, %dma_wait3A_163] : memref<512x64xf32, #tpu.memory_space<vmem>> -> memref<16x64xf32, #tpu.memory_space<vmem>>
    %dma_wait3A_165 = arith.constant 0 : i32
    %dma_wait3A_166 = arith.constant 0 : i32
    %dma_wait3A_167 = tpu.memref_slice %arg2[%dma_wait3A_165, %dma_wait3A_166] : memref<100000x64xf32, #tpu.memory_space<hbm>> -> memref<16x64xf32, #tpu.memory_space<hbm>>
    %dma_wait3A_168 = arith.constant 0 : i32
    %dma_wait3A_169 = arith.constant 0 : i32
    %dma_wait3A_170 = tpu.memref_slice %arg6[%dma_wait3A_168, %dma_wait3A_169] : memref<512x64xf32, #tpu.memory_space<vmem>> -> memref<16x64xf32, #tpu.memory_space<vmem>>
    %dma_wait3A_171 = arith.constant 0 : i32
    %dma_wait3A_172 = arith.constant 0 : i32
    %dma_wait3A_173 = tpu.memref_slice %arg2[%dma_wait3A_171, %dma_wait3A_172] : memref<100000x64xf32, #tpu.memory_space<hbm>> -> memref<16x64xf32, #tpu.memory_space<hbm>>
    tpu.wait_dma2 semaphore(%arg8 : memref<!tpu.dma_semaphore, #tpu.memory_space<semaphore_mem>>) src(%dma_wait3A_173 : memref<16x64xf32, #tpu.memory_space<hbm>>) dst(%dma_wait3A_170 : memref<16x64xf32, #tpu.memory_space<vmem>>)
    %dma_wait3A_174 = arith.constant 0 : i32
    %dma_wait3A_175 = arith.constant 0 : i32
    %dma_wait3A_176 = tpu.memref_slice %arg6[%dma_wait3A_174, %dma_wait3A_175] : memref<512x64xf32, #tpu.memory_space<vmem>> -> memref<16x64xf32, #tpu.memory_space<vmem>>
    %dma_wait3A_177 = arith.constant 0 : i32
    %dma_wait3A_178 = arith.constant 0 : i32
    %dma_wait3A_179 = tpu.memref_slice %arg2[%dma_wait3A_177, %dma_wait3A_178] : memref<100000x64xf32, #tpu.memory_space<hbm>> -> memref<16x64xf32, #tpu.memory_space<hbm>>
    %dma_wait3A_180 = arith.constant 0 : i32
    %dma_wait3A_181 = arith.constant 0 : i32
    %dma_wait3A_182 = tpu.memref_slice %arg6[%dma_wait3A_180, %dma_wait3A_181] : memref<512x64xf32, #tpu.memory_space<vmem>> -> memref<16x64xf32, #tpu.memory_space<vmem>>
    %dma_wait3A_183 = arith.constant 0 : i32
    %dma_wait3A_184 = arith.constant 0 : i32
    %dma_wait3A_185 = tpu.memref_slice %arg2[%dma_wait3A_183, %dma_wait3A_184] : memref<100000x64xf32, #tpu.memory_space<hbm>> -> memref<16x64xf32, #tpu.memory_space<hbm>>
    tpu.wait_dma2 semaphore(%arg7 : memref<!tpu.dma_semaphore, #tpu.memory_space<semaphore_mem>>) src(%dma_wait3A_185 : memref<16x64xf32, #tpu.memory_space<hbm>>) dst(%dma_wait3A_182 : memref<16x64xf32, #tpu.memory_space<vmem>>)
    %dma_wait3A_186 = arith.constant 0 : i32
    %dma_wait3A_187 = arith.constant 0 : i32
    %dma_wait3A_188 = tpu.memref_slice %arg6[%dma_wait3A_186, %dma_wait3A_187] : memref<512x64xf32, #tpu.memory_space<vmem>> -> memref<16x64xf32, #tpu.memory_space<vmem>>
    %dma_wait3A_189 = arith.constant 0 : i32
    %dma_wait3A_190 = arith.constant 0 : i32
    %dma_wait3A_191 = tpu.memref_slice %arg2[%dma_wait3A_189, %dma_wait3A_190] : memref<100000x64xf32, #tpu.memory_space<hbm>> -> memref<16x64xf32, #tpu.memory_space<hbm>>
    %dma_wait3A_192 = arith.constant 0 : i32
    %dma_wait3A_193 = arith.constant 0 : i32
    %dma_wait3A_194 = tpu.memref_slice %arg6[%dma_wait3A_192, %dma_wait3A_193] : memref<512x64xf32, #tpu.memory_space<vmem>> -> memref<16x64xf32, #tpu.memory_space<vmem>>
    %dma_wait3A_195 = arith.constant 0 : i32
    %dma_wait3A_196 = arith.constant 0 : i32
    %dma_wait3A_197 = tpu.memref_slice %arg2[%dma_wait3A_195, %dma_wait3A_196] : memref<100000x64xf32, #tpu.memory_space<hbm>> -> memref<16x64xf32, #tpu.memory_space<hbm>>
    tpu.wait_dma2 semaphore(%arg8 : memref<!tpu.dma_semaphore, #tpu.memory_space<semaphore_mem>>) src(%dma_wait3A_197 : memref<16x64xf32, #tpu.memory_space<hbm>>) dst(%dma_wait3A_194 : memref<16x64xf32, #tpu.memory_space<vmem>>)
    "tpu.region"() ({
      %run_scoped3A = tpu.sem_alloc : memref<!tpu.dma_semaphore, #tpu.memory_space<semaphore_mem>>
      %dma_start3A = arith.constant 0 : i32
      %dma_start3A_198 = tpu.memref_slice %arg4[%mul3A_2, %dma_start3A] : memref<16384x64xf32, #tpu.memory_space<hbm>> -> memref<512x64xf32, #tpu.memory_space<hbm>>
      %dma_start3A_199 = arith.constant 0 : i32
      %dma_start3A_200 = tpu.memref_slice %arg4[%mul3A_2, %dma_start3A_199] : memref<16384x64xf32, #tpu.memory_space<hbm>> -> memref<512x64xf32, #tpu.memory_space<hbm>>
      tpu.enqueue_dma source(%arg6 : memref<512x64xf32, #tpu.memory_space<vmem>>) target(%dma_start3A_200 : memref<512x64xf32, #tpu.memory_space<hbm>>) target_semaphore(%run_scoped3A : memref<!tpu.dma_semaphore, #tpu.memory_space<semaphore_mem>>)
      %dma_wait3A_201 = arith.constant 0 : i32
      %dma_wait3A_202 = tpu.memref_slice %arg4[%mul3A_2, %dma_wait3A_201] : memref<16384x64xf32, #tpu.memory_space<hbm>> -> memref<512x64xf32, #tpu.memory_space<hbm>>
      %dma_wait3A_203 = arith.constant 0 : i32
      %dma_wait3A_204 = tpu.memref_slice %arg4[%mul3A_2, %dma_wait3A_203] : memref<16384x64xf32, #tpu.memory_space<hbm>> -> memref<512x64xf32, #tpu.memory_space<hbm>>
      tpu.wait_dma2 semaphore(%run_scoped3A : memref<!tpu.dma_semaphore, #tpu.memory_space<semaphore_mem>>) src(%arg6 : memref<512x64xf32, #tpu.memory_space<vmem>>) dst(%dma_wait3A_204 : memref<512x64xf32, #tpu.memory_space<hbm>>)
      tpu.yield
    }) : () -> ()
    return
  }
}

</mosaic_0001>

<sc_bundles>
// kernel: kernel.3.cloned.1.call-start
scs
__scs_entry_jumppad:
0x0: {  	(pc) =	sbr.rel $0x88, $3  }
0x1: {  	(tag) =	ssettag $0x0;
	lr =	simm.s32 $0x1  }
0x2: {  	[smem:$0x3F9F] =	sst lr;
	_ =	strace $0xD0000000  }
0x3: {  	_ = 	snop  }
0x4: {  	_ = 	snop  }
0x5: {  	_ = 	snop  }
0x6: {  	_ = 	snop  }
0x7: {  	_ = 	snop  }
__scs_overlays_trampoline_lowered:
0x8: {  	[smem:$0x3FAE] =	sst s0  }
0x9: {  	[smem:$0x3FAF] =	sst s1  }
0xa: {  	[smem:$0x3FB0] =	sst s2  }
0xb: {  	[smem:$0x3FB1] =	sst s3  }
0xc: {  	[smem:$0x3FB2] =	sst s4  }
0xd: {  	[smem:$0x3FB3] =	sst s5  }
0xe: {  	[smem:$0x3FB4] =	sst s6  }
0xf: {  	[smem:$0x3FB5] =	sst s7  }
0x10: {  	[smem:$0x3FB6] =	sst s8  }
0x11: {  	[smem:$0x3FB7] =	sst s9;
	s0 =	simm.s32 @!p0 $0x0  }
0x12: {  	s1 =	sld [smem:$0x3F9D];
	s0 =	simm.s32 @p0 $0x1  }
0x13: {  	[smem:$0x3FB8] =	sst s0;
	s0 =	simm.s32 @!p1 $0x0  }
0x14: {  	s2 =	sld [smem:$0x3F9C];
	s0 =	simm.s32 @p1 $0x1  }
0x15: {  	[smem:$0x3FB9] =	sst s0;
	s0 =	simm.s32 @!p2 $0x0  }
0x16: {  	s3 =	sld [smem:$0x3FDB];
	s0 =	simm.s32 @p2 $0x1  }
0x17: {  	s4 =	simm.s32 $0x1BF5;
	[smem:$0x3FBB] =	sst s0  }
0x18: {  	s0 =	sld [smem:$0x3F9E];
	_ =	swait.ge [sflag:s4], $0x0  }
0x19: {  	s7 =	sld [smem:$0x3F9F]  }
0x1a: {  	s8 =	sadd.s32 $0xFFFFE003, lr  }
0x1b: {  	s9 =	sadd.s32 $0xFFFFFEF7, lr;
	s5 =	simm.s32 $0xFFFFFFFF;
	p2 =	slt.u32 s8, $0xFFFFF086  }
0x1c: {  	p1 =	slt.u32 s9, $0xF7A;
	s5 =	simm.s32 @!p2 $0x0  }
0x1d: {  	s5 =	simm.s32 @p1 $0x1;
	p0 =	seq.s32 s7, s2  }
0x1e: {  	s7 =	smul.u32 @!p0 $0xF7A, s2;
	p2 =	seq.s32 @!p0 s5, $0x0  }
0x1f: {  	s9 =	smul.u32 $0xF7A, s1;
	s8 =	simm.s32 @!p0 $0x1BF5;
	p2 =	por !p2, p0  }
0x20: {  	[sflag:s8] =	ssyncset.s32 @!p0 $0xFFFFF086;
	s6 =	sadd.s32 @!p0 s3, s7;
	s7 =	simm.s32 @!p0 $0x108  }
0x21: {  	s3 =	sadd.s32 s3, s9;
	s6 =	sadd.s32 @!p0 $0x88, s6;
	s7 =	simm.s32 @p2 $0x1082  }
0x22: {  	[simem:s7], [sflag:s8] =	dma.local @!p0 [hbm:s6], $0xF7A  }
0x23: {  	s9 =	sor.u32 $0xD0000000, s2;
	s6 =	simm.s32 $0x108;
	_ =	swait.ge @!p0 [sflag:s8], $0x0  }
0x24: {  	s3 =	sadd.s32 $0x88, s3;
	s6 =	simm.s32 @!p1 $0x1082;
	[sflag:s4] =	ssyncset.s32 $0xFFFFF086  }
0x25: {  	[simem:s6], [sflag:s4] =	dma.local [hbm:s3], $0xF7A  }
0x26: {  	[smem:$0x3F9F] =	sst s1;
	(tag) =	ssettag s2;
	_ =	strace s9  }
0x27: {  	s1 =	sld [smem:$0x3FAF]  }
0x28: {  	s2 =	sld [smem:$0x3FB0]  }
0x29: {  	s4 =	sld [smem:$0x3FB2]  }
0x2a: {  	p0 =	seq.s32 s5, $0x0;
	s5 =	sld [smem:$0x3FB3]  }
0x2b: {  	s6 =	sld [smem:$0x3FB4]  }
0x2c: {  	s7 =	sld [smem:$0x3FB5]  }
0x2d: {  	s3 =	simm.s32 $0x108;
	s8 =	sld [smem:$0x3FB6]  }
0x2e: {  	s3 =	simm.s32 @!p0 $0x1082;
	s9 =	sld [smem:$0x3FB7]  }
0x2f: {  	lr =	sadd.s32 s0, s3;
	s0 =	sld [smem:$0x3FAE]  }
0x30: {  	s3 =	sld [smem:$0x3FB1]  }
0x31: {  	[smem:$0x3FBA] =	sst s10  }
0x32: {  	s10 =	sld [smem:$0x3FB8];
	_ =	sdelay $0x3  }
0x33: {  	p0 =	seq.s32 s10, $0x1;
	s10 =	sld [smem:$0x3FBA];
	_ =	sdelay $0x3  }
0x34: {  	[smem:$0x3FBA] =	sst s10  }
0x35: {  	s10 =	sld [smem:$0x3FB9];
	_ =	sdelay $0x3  }
0x36: {  	p1 =	seq.s32 s10, $0x1;
	s10 =	sld [smem:$0x3FBA];
	_ =	sdelay $0x3  }
0x37: {  	[smem:$0x3FBA] =	sst s10  }
0x38: {  	s10 =	sld [smem:$0x3FBB]  }
0x39: {  	_ = 	snop;
	(pc) =	sbr.ind lr, $3  }
0x3a: {  	_ = 	snop  }
0x3b: {  	_ = 	snop  }
0x3c: {  	p2 =	seq.s32 s10, $0x1;
	s10 =	sld [smem:$0x3FBA]  }
0x3d: {  	_ =	shalt  }
0x3e: {  	_ =	shalt  }
0x3f: {  	_ =	shalt  }
0x40: {  	_ =	shalt  }
0x41: {  	_ =	shalt  }
0x42: {  	_ =	shalt  }
0x43: {  	_ =	shalt  }
0x44: {  	_ =	shalt  }
0x45: {  	_ =	shalt  }
0x46: {  	_ =	shalt  }
0x47: {  	_ =	shalt  }
0x48: {  	_ =	shalt  }
0x49: {  	_ =	shalt  }
0x4a: {  	_ =	shalt  }
0x4b: {  	_ =	shalt  }
0x4c: {  	_ =	shalt  }
0x4d: {  	_ =	shalt  }
0x4e: {  	_ =	shalt  }
0x4f: {  	_ =	shalt  }
0x50: {  	_ =	shalt  }
0x51: {  	_ =	shalt  }
0x52: {  	_ =	shalt  }
0x53: {  	_ =	shalt  }
0x54: {  	_ =	shalt  }
0x55: {  	_ =	shalt  }
0x56: {  	_ =	shalt  }
0x57: {  	_ =	shalt  }
0x58: {  	_ =	shalt  }
0x59: {  	_ =	shalt  }
0x5a: {  	_ =	shalt  }
0x5b: {  	_ =	shalt  }
0x5c: {  	_ =	shalt  }
0x5d: {  	_ =	shalt  }
0x5e: {  	_ =	shalt  }
0x5f: {  	_ =	shalt  }
0x60: {  	_ =	shalt  }
0x61: {  	_ =	shalt  }
0x62: {  	_ =	shalt  }
0x63: {  	_ =	shalt  }
0x64: {  	_ =	shalt  }
0x65: {  	_ =	shalt  }
0x66: {  	_ =	shalt  }
0x67: {  	_ =	shalt  }
0x68: {  	_ =	shalt  }
0x69: {  	_ =	shalt  }
0x6a: {  	_ =	shalt  }
0x6b: {  	_ =	shalt  }
0x6c: {  	_ =	shalt  }
0x6d: {  	_ =	shalt  }
0x6e: {  	_ =	shalt  }
0x6f: {  	_ =	shalt  }
0x70: {  	_ =	shalt  }
0x71: {  	_ =	shalt  }
0x72: {  	_ =	shalt  }
0x73: {  	_ =	shalt  }
0x74: {  	_ =	shalt  }
0x75: {  	_ =	shalt  }
0x76: {  	_ =	shalt  }
0x77: {  	_ =	shalt  }
0x78: {  	_ =	shalt  }
0x79: {  	_ =	shalt  }
0x7a: {  	_ =	shalt  }
0x7b: {  	_ =	shalt  }
0x7c: {  	_ =	shalt  }
0x7d: {  	_ =	shalt  }
0x7e: {  	_ =	shalt  }
0x7f: {  	_ =	shalt  }
0x80: {  	_ =	shalt  }
0x81: {  	_ =	shalt  }
0x82: {  	_ =	shalt  }
0x83: {  	_ =	shalt  }
0x84: {  	_ =	shalt  }
0x85: {  	_ =	shalt  }
0x86: {  	_ =	shalt  }
0x87: {  	_ =	shalt  }
.Lfunc_end0:
.L_simem_size_0:
called_computation_lowered:
.L_overlay_start_0:
0x88: {  	s2 =	sld [smem:$0x3FD9]  }
0x89: {  	s3 =	sld [smem:$0x3FFE];
	_ =	sdelay $0x1  }
0x8a: {  	s1 =	srdreg.scid  }
0x8b: {  	s0 =	sand.u32 $0x1, s1  }
0x8c: {  	s17 =	sshll.u32 s0, $0xA;
	s2 =	sadd.s32 s3, s2  }
0x8d: {  	s2 =	sadd.s32 s2, s17  }
0x8e: {  	[smem:$0x3FC6] =	sst s2  }
0x8f: {  	_ = 	snop  }
0x90: {  	s2 =	sld [smem:$0x3FC8];
	(tm) =	ssettm $0x1  }
0x91: {  	s18 =	sld [smem:$0x3FFB];
	_ =	sdelay $0x3  }
0x92: {  	_ =	strace s18  }
0x93: {  	s3 =	sld [smem:$0x3FFC];
	_ =	sdelay $0x3  }
0x94: {  	_ =	strace s3  }
0x95: {  	s3 =	sld [smem:$0x3FFD];
	_ =	sdelay $0x3  }
0x96: {  	_ =	strace s3  }
0x97: {  	_ =	strace $0x8FFFFFFF  }
0x98: {  	s19 =	sld [smem:$0x3FDB];
	_ =	sdelay $0x1  }
0x99: {  	s4 =	simm.s32 $_scs_section_size  }
0x9a: {  	s5 =	simm.s32 $_size__tile_overlayer_lowered;
	s6 =	simm.s32 $_tile_overlayer_lowered  }
0x9b: {  	s22 =	simm.s32 $0x1BFF;
	s21 =	sshll.u32 s6, $0x1;
	s3 =	sadd.s32 s4, s19  }
0x9c: {  	s7 =	simm.s32 $0x0;
	s20 =	sshll.u32 s5, $0x1;
	s5 =	sadd.s32 s21, s3  }
0x9d: {  	[timem:s7], [sflag:s22] =	dma.local [hbm:s5], s20  }
0x9e: {  	_ =	swait.ge [sflag:s22], s20  }
0x9f: {  	s4 =	ssub.s32 $0x0, s20;
	[sflag:s22] =	ssyncset.done $0x0  }
0xa0: {  	[sflag:s22] =	ssyncadd.s32 s4;
	_ =	sdelay $0x1  }
0xa1: {  	s23 =	simm.s32 $0x1B8B  }
0xa2: {  	_ =	swait.ge [sflag:s23], $0x1  }
0xa3: {  	[sflag:s23] =	ssyncset.done $0x0  }
0xa4: {  	s25 =	simm.s32 $0x1B8E;
	s24 =	sld [smem:$0x3FFE];
	[sflag:s23] =	ssyncadd.s32 $0xFFFFFFFF  }
0xa5: {  	s26 =	simm.s32 $execute0_lowered;
	[smem:$0x3FD2] =	sst s25  }
0xa6: {  	s5 =	sshll.u32 s26, $0x1;
	_ =	strace $0x80000046;
	[dreg:$0x1] =	wrdreg $0xFFFFFFFF  }
0xa7: {  	s28 =	simm.s32 $_size_execute0_lowered;
	s3 =	sadd.s32 s3, s5;
	[dreg:$0x0] =	wrdreg $0x0  }
0xa8: {  	s5 =	sshll.u32 s28, $0x1;
	[dreg:$0x2] =	wrdreg s3  }
0xa9: {  	[dreg:$0x3] =	wrdreg s5  }
0xaa: {  	[dreg:$0x4] =	wrdreg $0xC0  }
0xab: {  	_ =	task [dreg:s7], $0x5FFFF  }
0xac: {  	[dreg:$0x1] =	wrdreg $0xFFFFFFFF  }
0xad: {  	[dreg:$0x0] =	wrdreg $0x60  }
0xae: {  	[dreg:$0x2] =	wrdreg s24  }
0xaf: {  	[dreg:$0x3] =	wrdreg s2  }
0xb0: {  	[dreg:$0x4] =	wrdreg $0x9  }
0xb1: {  	_ =	task.clear_ibuf [dreg:s7], $0x5FFFF;
	_ =	strace $0x90000046  }
0xb2: {  	s29 =	simm.s32 $0x9;
	_ =	strace $0x80000048  }
0xb3: {  	_ =	swait.ge [sflag:s29], $0x1  }
0xb4: {  	[sflag:s29] =	ssyncadd.s32 $0xFFFFFFFF  }
0xb5: {  	_ =	strace $0x90000048  }
0xb6: {  	_ =	sfence  }
0xb7: {  	s30 =	sld [smem:$0x0];
	_ =	sdelay $0x2  }
0xb8: {  	s31 =	sshll.u32 s1, $0xD;
	s1 =	sshrl.u32 s1, $0x2  }
0xb9: {  	s3 =	sand.u32 $0x4000, s31;
	s1 =	sadd.s32 s1, s30  }
0xba: {  	s0 =	sor.u32 s3, s0;
	s1 =	sshll.u32 s1, $0x11  }
0xbb: {  	s0 =	sor.u32 s1, s0  }
0xbc: {  	s0 =	sadd.s32 $0x8F2B, s0  }
0xbd: {  	[sflag:s0] =	ssyncadd.remote.s32 $0x1  }
0xbe: {  	_ =	sfence.sel $0xFFFF  }
0xbf: {  	[dreg:$0x0] =	wrdreg $0xFFFFFFFF;
	(pc) =	sbr.abs _section_cstart, $3  }
0xc0: {  	[dreg:$0x1] =	wrdreg $0xFFFFFFFF  }
0xc1: {  	_ =	task.clear_ibuf [dreg:s7], $0x2FFFF;
	_ =	strace $0x9FFFFFFF  }
0xc2: {  	(tm) =	ssettm $0x7FFFFFFF  }
0xc3: {  	_ =	shalt  }
tec
execute0_lowered:
.L_overlay_start_1:
0x0: {  	(tag) =	ssettag $0x1  }
0x1: {  	s4 =	rddreg [dreg:$0x0]  }
0x2: {  	s5 =	rddreg [dreg:$0x1]  }
0x3: {  	s3 =	srdreg.scid;
	s2 =	simm.s32 $0x0;
	s0 =	stileid.u32  }
0x4: {  	s9 =	simm.s32 $0x2;
	s11 =	simm.s32 $0x0;
	s6 =	sand.u32 $0x1, s3  }
0x5: {  	[smem:$0x7FF] =	sst s2;
	s29 =	sshll.u32 s0, $0xA;
	s7 =	sshll.u32 s6, $0x9  }
0x6: {  	s3 =	sadd.s32 $0x400, s4;
	s6 =	ssub.s32 $0x2, s6;
	s7 =	sor.u32 s7, s29  }
0x7: {  	_ =	strace $0x80000047;
	s30 =	sshrl.u32 s6, $0x1;
	s8 =	sshll.u32 s7, $0x4  }
0x8: {  	s7 =	sshrl.u32 s7, $0x3;
	s6 =	ssub.s32 s6, s30;
	s8 =	sadd.s32 s8, s4  }
0x9: {  	s31 =	sadd.s32 s5, s7;
	s6 =	smax.u32 s6, $0x1;
	s7 =	simm.s32 $0x3  }
0xa: {  	[dreg:$0x3] =	wrdreg s31;
	s5 =	sadd.s32 $0x186E00, s8;
	s8 =	simm.s32 $0x1  }
.LBB2_1:
0xb: {  	s0 =	rddreg [dreg:$0x3]  }
0xc: {  	[tilespmem:s2], [sflag:$0x3] =	stream.linear.gather [hbm4b:s0+s2], $0x200, $0x38;
	[tilespmem:$0x10200] =	vst v63  }
0xd: {  	_ =	swait.ge [sflag:s7], $0x200  }
0xe: {  	[sflag:s7] =	ssyncset.done $0x0  }
0xf: {  	s12 =	simm.s32 $0x10;
	[sflag:s7] =	ssyncadd.s32 $0xFFFFFE00  }
0x10: {  	v0 =	vld [tilespmem:s12+$0xFFFFFFF0];
	_ =	sdelay $0x4  }
0x11: {  	v0 =	vshll.u32 v0, $0x4  }
0x12: {  	(v2sf) =	vpush v0, $0x2  }
0x13: {  	(v2sf) =	vpush v0, $0x1  }
0x14: {  	(v2sf) =	vpush v0, $0x0  }
0x15: {  	(v2sf) =	vpush v0, $0x4  }
0x16: {  	(v2sf) =	vpush v0, $0x3;
	_ =	sdelay $0x3  }
0x17: {  	(v2sf) =	vpush v0, $0x5;
	_ =	sdelay $0x1  }
0x18: {  	(v2sf) =	vpush v0, $0x6;
	_ =	sdelay $0x1  }
0x19: {  	(v2sf) =	vpush v0, $0x7  }
0x1a: {  	s14 =	simm.s32 $0x800;
	s13 =	simm.s32 $0x880  }
0x1b: {  	s16 =	simm.s32 $0x200;
	s17 =	simm.s32 $0x280;
	s15 =	simm.s32 $0x780  }
0x1c: {  	s18 =	simm.s32 $0x680;
	s19 =	simm.s32 $0x700;
	s20 =	spop (v2sf)  }
0x1d: {  	s21 =	simm.s32 $0x300;
	s23 =	simm.s32 $0x600;
	s22 =	spop (v2sf);
	(v2sf) =	vpush v0, $0x8  }
0x1e: {  	s25 =	simm.s32 $0x580;
	s20 =	sand.u32 $0x1FFFFFF0, s20;
	s24 =	spop (v2sf)  }
0x1f: {  	s22 =	sand.u32 $0x1FFFFFF0, s22;
	(v2sf) =	vpush v0, $0x9;
	s24 =	sand.u32 $0x1FFFFFF0, s24;
	s26 =	spop (v2sf)  }
0x20: {  	s1 =	sadd.s32 s3, s20;
	s24 =	sadd.s32 s3, s24;
	s28 =	spop (v2sf)  }
0x21: {  	(v2sf) =	vpush v0, $0xA;
	[tilespmem:s16], [sflag:$0x1] =	stream.linear.gather [hbm4b:s24+s2], $0x80, $0x38;
	[tilespmem:$0x10200] =	vst v63  }
0x22: {  	s30 =	sadd.s32 s3, s22;
	s26 =	sand.u32 $0x1FFFFFF0, s26;
	s31 =	sand.u32 $0x1FFFFFF0, s28  }
0x23: {  	(v2sf) =	vpush v0, $0xB;
	[tilespmem:s17], [sflag:$0x1] =	stream.linear.gather [hbm4b:s30+s2], $0x80, $0x38;
	[tilespmem:$0x10200] =	vst v63  }
0x24: {  	s0 =	spop (v2sf);
	s28 =	simm.s32 $0x400;
	s29 =	sadd.s32 s3, s26  }
0x25: {  	(v2sf) =	vpush v0, $0xC;
	[tilespmem:s21], [sflag:$0x1] =	stream.linear.gather [hbm4b:s1+s2], $0x80, $0x38;
	[tilespmem:$0x10200] =	vst v63  }
0x26: {  	s10 =	spop (v2sf);
	s24 =	sadd.s32 s3, s31;
	s21 =	simm.s32 $0x380  }
0x27: {  	(v2sf) =	vpush v0, $0xD;
	[tilespmem:s21], [sflag:$0x1] =	stream.linear.gather [hbm4b:s24+s2], $0x80, $0x38;
	[tilespmem:$0x10200] =	vst v63  }
0x28: {  	s4 =	sand.u32 $0x1FFFFFF0, s0;
	s31 =	simm.s32 $0x480;
	s30 =	spop (v2sf)  }
0x29: {  	(v2sf) =	vpush v0, $0xE;
	[tilespmem:s28], [sflag:$0x1] =	stream.linear.gather [hbm4b:s29+s2], $0x80, $0x38;
	[tilespmem:$0x10200] =	vst v63  }
0x2a: {  	s20 =	sand.u32 $0x1FFFFFF0, s10;
	s17 =	sadd.s32 s3, s4;
	s0 =	sand.u32 $0x1FFFFFF0, s30  }
0x2b: {  	(v2sf) =	vpush v0, $0xF;
	[tilespmem:s31], [sflag:$0x1] =	stream.linear.gather [hbm4b:s17+s2], $0x80, $0x38;
	[tilespmem:$0x10200] =	vst v63  }
0x2c: {  	s4 =	sadd.s32 s3, s20;
	s1 =	simm.s32 $0x500;
	s10 =	spop (v2sf)  }
0x2d: {  	[tilespmem:s1], [sflag:$0x1] =	stream.linear.gather [hbm4b:s4+s2], $0x80, $0x38;
	[tilespmem:$0x10200] =	vst v63  }
0x2e: {  	s17 =	sadd.s32 s3, s0;
	s20 =	sand.u32 $0x1FFFFFF0, s10;
	s21 =	spop (v2sf)  }
0x2f: {  	[tilespmem:s25], [sflag:$0x1] =	stream.linear.gather [hbm4b:s17+s2], $0x80, $0x38;
	[tilespmem:$0x10200] =	vst v63  }
0x30: {  	s22 =	sadd.s32 s3, s20;
	s24 =	sand.u32 $0x1FFFFFF0, s21;
	s25 =	spop (v2sf)  }
0x31: {  	[tilespmem:s23], [sflag:$0x1] =	stream.linear.gather [hbm4b:s22+s2], $0x80, $0x38;
	[tilespmem:$0x10200] =	vst v63  }
0x32: {  	s26 =	sadd.s32 s3, s24;
	s28 =	sand.u32 $0x1FFFFFF0, s25;
	s29 =	spop (v2sf)  }
0x33: {  	[tilespmem:s18], [sflag:$0x1] =	stream.linear.gather [hbm4b:s26+s2], $0x80, $0x38;
	[tilespmem:$0x10200] =	vst v63  }
0x34: {  	s30 =	sadd.s32 s3, s28;
	s31 =	sand.u32 $0x1FFFFFF0, s29;
	s0 =	spop (v2sf)  }
0x35: {  	[tilespmem:s19], [sflag:$0x1] =	stream.linear.gather [hbm4b:s30+s2], $0x80, $0x38;
	[tilespmem:$0x10200] =	vst v63  }
0x36: {  	s1 =	sadd.s32 s3, s31;
	s4 =	sand.u32 $0x1FFFFFF0, s0;
	s10 =	spop (v2sf)  }
0x37: {  	[tilespmem:s15], [sflag:$0x1] =	stream.linear.gather [hbm4b:s1+s2], $0x80, $0x38;
	[tilespmem:$0x10200] =	vst v63  }
0x38: {  	s17 =	sadd.s32 s3, s4;
	s20 =	spop (v2sf);
	s19 =	sand.u32 $0x1FFFFFF0, s10  }
0x39: {  	[tilespmem:s14], [sflag:$0x1] =	stream.linear.gather [hbm4b:s17+s2], $0x80, $0x38;
	[tilespmem:$0x10200] =	vst v63  }
0x3a: {  	s22 =	sand.u32 $0x1FFFFFF0, s20;
	s23 =	spop (v2sf);
	s21 =	sadd.s32 s3, s19  }
0x3b: {  	[tilespmem:s13], [sflag:$0x1] =	stream.linear.gather [hbm4b:s21+s2], $0x80, $0x38;
	[tilespmem:$0x10200] =	vst v63  }
0x3c: {  	s24 =	simm.s32 $0x900;
	s25 =	sadd.s32 s3, s22;
	s26 =	sand.u32 $0x1FFFFFF0, s23  }
0x3d: {  	[tilespmem:s24], [sflag:$0x1] =	stream.linear.gather [hbm4b:s25+s2], $0x80, $0x38;
	[tilespmem:$0x10200] =	vst v63  }
0x3e: {  	s28 =	simm.s32 $0x980;
	s29 =	sadd.s32 s3, s26  }
0x3f: {  	[tilespmem:s28], [sflag:$0x1] =	stream.linear.gather [hbm4b:s29+s2], $0x80, $0x38;
	[tilespmem:$0x10200] =	vst v63  }
0x40: {  	v63 =	vld [tilespmem:s12+$0x0];
	_ =	sdelay $0x4  }
0x41: {  	v0 =	vshll.u32 v63, $0x4  }
0x42: {  	(v2sf) =	vpush v0, $0x0  }
0x43: {  	(v2sf) =	vpush v0, $0x1  }
0x44: {  	(v2sf) =	vpush v0, $0x2;
	_ =	sdelay $0x1  }
0x45: {  	(v2sf) =	vpush v0, $0x3;
	_ =	sdelay $0x1  }
0x46: {  	(v2sf) =	vpush v0, $0x4;
	_ =	sdelay $0x1  }
0x47: {  	(v2sf) =	vpush v0, $0x5;
	_ =	sdelay $0x1  }
0x48: {  	p0 =	por $0x1, $0x1;
	(v2sf) =	vpush v0, $0x6  }
0x49: {  	p0 =	por p0, p0;
	s16 =	simm.s32 $0xE80  }
0x4a: {  	s0 =	simm.s32 $0xA00;
	s18 =	simm.s32 $0xD80;
	s20 =	simm.s32 $0xB80;
	(v2sf) =	vpush v0, $0x7  }
0x4b: {  	s22 =	simm.s32 $0xC80;
	s30 =	simm.s32 $0xA80;
	s19 =	simm.s32 $0xE00  }
0x4c: {  	s15 =	simm.s32 $0xF00;
	s14 =	simm.s32 $0xF80;
	s17 =	simm.s32 $0xD00;
	(v2sf) =	vpush v0, $0x8  }
0x4d: {  	s13 =	simm.s32 $0x1000;
	s21 =	simm.s32 $0xC00;
	s31 =	spop (v2sf)  }
0x4e: {  	s24 =	simm.s32 $0xB00;
	(v2sf) =	vpush v0, $0x9;
	s25 =	sand.u32 $0x1FFFFFF0, s31;
	s1 =	spop (v2sf)  }
0x4f: {  	s25 =	sadd.s32 s3, s25;
	s28 =	sand.u32 $0x1FFFFFF0, s1;
	s29 =	spop (v2sf)  }
0x50: {  	[tilespmem:s0], [sflag:$0x2] =	stream.linear.gather [hbm4b:s25+s2], $0x80, $0x38;
	[tilespmem:$0x10200] =	vst v63  }
0x51: {  	(v2sf) =	vpush v0, $0xA;
	s4 =	sadd.s32 s3, s28;
	s10 =	sand.u32 $0x1FFFFFF0, s29;
	s29 =	spop (v2sf)  }
0x52: {  	[tilespmem:s30], [sflag:$0x2] =	stream.linear.gather [hbm4b:s4+s2], $0x80, $0x38;
	[tilespmem:$0x10200] =	vst v63  }
0x53: {  	(v2sf) =	vpush v0, $0xB;
	s31 =	sand.u32 $0x1FFFFFF0, s29;
	s0 =	spop (v2sf);
	s30 =	sadd.s32 s3, s10  }
0x54: {  	[tilespmem:s24], [sflag:$0x2] =	stream.linear.gather [hbm4b:s30+s2], $0x80, $0x38;
	[tilespmem:$0x10200] =	vst v63  }
0x55: {  	(v2sf) =	vpush v0, $0xC;
	s1 =	sadd.s32 s3, s31;
	s4 =	sand.u32 $0x1FFFFFF0, s0;
	s10 =	spop (v2sf)  }
0x56: {  	[tilespmem:s20], [sflag:$0x2] =	stream.linear.gather [hbm4b:s1+s2], $0x80, $0x38;
	[tilespmem:$0x10200] =	vst v63  }
0x57: {  	(v2sf) =	vpush v0, $0xD;
	s26 =	sadd.s32 s3, s4;
	s28 =	sand.u32 $0x1FFFFFF0, s10;
	s29 =	spop (v2sf)  }
0x58: {  	[tilespmem:s21], [sflag:$0x2] =	stream.linear.gather [hbm4b:s26+s2], $0x80, $0x38;
	[tilespmem:$0x10200] =	vst v63  }
0x59: {  	(v2sf) =	vpush v0, $0xE;
	s30 =	sadd.s32 s3, s28;
	s31 =	sand.u32 $0x1FFFFFF0, s29;
	s0 =	spop (v2sf)  }
0x5a: {  	[tilespmem:s22], [sflag:$0x2] =	stream.linear.gather [hbm4b:s30+s2], $0x80, $0x38;
	[tilespmem:$0x10200] =	vst v63  }
0x5b: {  	s12 =	simm.s32 $0x4000;
	s10 =	spop (v2sf);
	s1 =	sadd.s32 s3, s31  }
0x5c: {  	[tilespmem:s17], [sflag:$0x2] =	stream.linear.gather [hbm4b:s1+s2], $0x80, $0x38;
	[tilespmem:$0x10200] =	vst v63  }
0x5d: {  	s4 =	sand.u32 $0x1FFFFFF0, s0;
	s24 =	sand.u32 $0x1FFFFFF0, s10;
	s25 =	spop (v2sf);
	(v2sf) =	vpush v0, $0xF  }
0x5e: {  	s23 =	sadd.s32 s3, s4;
	s26 =	sadd.s32 s3, s24;
	s17 =	simm.s32 @!p0 $0x1  }
0x5f: {  	[tilespmem:s18], [sflag:$0x2] =	stream.linear.gather [hbm4b:s23+s2], $0x80, $0x38;
	[tilespmem:$0x10200] =	vst v63  }
0x60: {  	s28 =	sand.u32 $0x1FFFFFF0, s25;
	s29 =	spop (v2sf);
	s25 =	simm.s32 $0x1080  }
0x61: {  	[tilespmem:s19], [sflag:$0x2] =	stream.linear.gather [hbm4b:s26+s2], $0x80, $0x38;
	[tilespmem:$0x10200] =	vst v63  }
0x62: {  	s30 =	sadd.s32 s3, s28;
	s31 =	sand.u32 $0x1FFFFFF0, s29;
	s0 =	spop (v2sf)  }
0x63: {  	[tilespmem:s16], [sflag:$0x2] =	stream.linear.gather [hbm4b:s30+s2], $0x80, $0x38;
	[tilespmem:$0x10200] =	vst v63  }
0x64: {  	s1 =	sadd.s32 s3, s31;
	s4 =	sand.u32 $0x1FFFFFF0, s0;
	s10 =	spop (v2sf)  }
0x65: {  	[tilespmem:s15], [sflag:$0x2] =	stream.linear.gather [hbm4b:s1+s2], $0x80, $0x38;
	[tilespmem:$0x10200] =	vst v63  }
0x66: {  	s19 =	sadd.s32 s3, s4;
	s20 =	sand.u32 $0x1FFFFFF0, s10;
	s21 =	spop (v2sf)  }
0x67: {  	[tilespmem:s14], [sflag:$0x2] =	stream.linear.gather [hbm4b:s19+s2], $0x80, $0x38;
	[tilespmem:$0x10200] =	vst v63  }
0x68: {  	s22 =	sadd.s32 s3, s20;
	s23 =	sand.u32 $0x1FFFFFF0, s21;
	s24 =	spop (v2sf)  }
0x69: {  	[tilespmem:s13], [sflag:$0x2] =	stream.linear.gather [hbm4b:s22+s2], $0x80, $0x38;
	[tilespmem:$0x10200] =	vst v63  }
0x6a: {  	s29 =	simm.s32 $0x1100;
	s26 =	sadd.s32 s3, s23;
	s28 =	sand.u32 $0x1FFFFFF0, s24  }
0x6b: {  	[tilespmem:s25], [sflag:$0x2] =	stream.linear.gather [hbm4b:s26+s2], $0x80, $0x38;
	[tilespmem:$0x10200] =	vst v63  }
0x6c: {  	s30 =	sadd.s32 s3, s28;
	s15 =	simm.s32 $0x1180;
	s31 =	spop (v2sf)  }
0x6d: {  	[tilespmem:s29], [sflag:$0x2] =	stream.linear.gather [hbm4b:s30+s2], $0x80, $0x38;
	[tilespmem:$0x10200] =	vst v63  }
0x6e: {  	s14 =	simm.s32 $0x1;
	s13 =	simm.s32 $0x30;
	s16 =	sand.u32 $0x1FFFFFF0, s31  }
.LBB2_2:
0x6f: {  	p2 =	slt.u32 s14, $0x8  }
0x70: {  	s16 =	sadd.s32 s3, s16;
	s18 =	smov.u32 s12;
	s12 =	sadd.s32 $0x4000, s12  }
0x71: {  	[tilespmem:s15], [sflag:$0x2] =	stream.linear.gather [hbm4b:s16+s2], $0x80, $0x38;
	[tilespmem:$0x10200] =	vst v63  }
0x72: {  	p1 =	sne.s32 s12, $0x40000;
	_ =	swait.ge @!p0 [sflag:s17], $0x800  }
0x73: {  	[sflag:s17] =	ssyncset.done @!p0 $0x0  }
0x74: {  	s15 =	simm.s32 @!p0 $0x2;
	[sflag:s17] =	ssyncadd.s32 @!p0 $0xFFFFF800  }
0x75: {  	_ =	swait.ge @!p0 [sflag:s15], $0x800  }
0x76: {  	[sflag:s15] =	ssyncset.done @!p0 $0x0  }
0x77: {  	[sflag:s15] =	ssyncadd.s32 @!p0 $0xFFFFF800;
	p0 =	por p2, p2  }
0x78: {  	v0 =	vld [tilespmem:s13+$0xFFFFFFF0];
	_ =	sdelay $0x4  }
0x79: {  	v0 =	vshll.u32 v0, $0x4  }
0x7a: {  	(v2sf) =	vpush v0, $0x2  }
0x7b: {  	(v2sf) =	vpush v0, $0x1  }
0x7c: {  	(v2sf) =	vpush v0, $0x0  }
0x7d: {  	(v2sf) =	vpush v0, $0x4  }
0x7e: {  	(v2sf) =	vpush v0, $0x3;
	_ =	sdelay $0x1  }
0x7f: {  	(v2sf) =	vpush v0, $0x5;
	_ =	sdelay $0x1  }
0x80: {  	(v2sf) =	vpush v0, $0x6;
	_ =	sdelay $0x2  }
0x81: {  	s16 =	sshra.s32 s18, $0x2  }
0x82: {  	s18 =	sadd.s32 $0x800, s16;
	s17 =	sadd.s32 $0x880, s16;
	s15 =	sadd.s32 $0x1180, s16;
	(v2sf) =	vpush v0, $0x7  }
0x83: {  	s23 =	sadd.s32 $0x200, s16;
	s24 =	sadd.s32 $0x280, s16;
	s19 =	sadd.s32 $0x780, s16  }
0x84: {  	s21 =	sadd.s32 $0x680, s16;
	s20 =	sadd.s32 $0x700, s16  }
0x85: {  	s25 =	sadd.s32 $0x300, s16;
	s22 =	spop (v2sf)  }
0x86: {  	s26 =	sand.u32 $0x1FFFFFF0, s22;
	s22 =	sadd.s32 $0x600, s16;
	s28 =	spop (v2sf);
	(v2sf) =	vpush v0, $0x8  }
0x87: {  	s28 =	sand.u32 $0x1FFFFFF0, s28;
	s29 =	spop (v2sf)  }
0x88: {  	s30 =	sadd.s32 $0x580, s16;
	s29 =	sand.u32 $0x1FFFFFF0, s29;
	s31 =	spop (v2sf);
	(v2sf) =	vpush v0, $0x9  }
0x89: {  	s29 =	sadd.s32 s3, s29;
	s31 =	sand.u32 $0x1FFFFFF0, s31;
	s0 =	spop (v2sf)  }
0x8a: {  	[tilespmem:s23], [sflag:$0x1] =	stream.linear.gather [hbm4b:s29+s2], $0x80, $0x38;
	(v2sf) =	vpush v0, $0xA;
	[tilespmem:$0x10200] =	vst v63  }
0x8b: {  	s23 =	sadd.s32 s3, s28;
	s0 =	sand.u32 $0x1FFFFFF0, s0;
	s28 =	spop (v2sf)  }
0x8c: {  	[tilespmem:s24], [sflag:$0x1] =	stream.linear.gather [hbm4b:s23+s2], $0x80, $0x38;
	(v2sf) =	vpush v0, $0xB;
	[tilespmem:$0x10200] =	vst v63  }
0x8d: {  	s23 =	sadd.s32 s3, s26;
	s24 =	sand.u32 $0x1FFFFFF0, s28;
	s26 =	spop (v2sf)  }
0x8e: {  	[tilespmem:s25], [sflag:$0x1] =	stream.linear.gather [hbm4b:s23+s2], $0x80, $0x38;
	(v2sf) =	vpush v0, $0xC;
	[tilespmem:$0x10200] =	vst v63  }
0x8f: {  	s0 =	sadd.s32 s3, s0;
	s23 =	sadd.s32 $0x380, s16;
	s25 =	sand.u32 $0x1FFFFFF0, s26  }
0x90: {  	[tilespmem:s23], [sflag:$0x1] =	stream.linear.gather [hbm4b:s0+s2], $0x80, $0x38;
	(v2sf) =	vpush v0, $0xD;
	[tilespmem:$0x10200] =	vst v63  }
0x91: {  	s0 =	sadd.s32 $0x400, s16;
	s23 =	sadd.s32 s3, s31;
	s26 =	spop (v2sf)  }
0x92: {  	[tilespmem:s0], [sflag:$0x1] =	stream.linear.gather [hbm4b:s23+s2], $0x80, $0x38;
	(v2sf) =	vpush v0, $0xE;
	[tilespmem:$0x10200] =	vst v63  }
0x93: {  	s0 =	sadd.s32 $0x480, s16;
	s23 =	sadd.s32 s3, s24;
	s24 =	sand.u32 $0x1FFFFFF0, s26  }
0x94: {  	[tilespmem:s0], [sflag:$0x1] =	stream.linear.gather [hbm4b:s23+s2], $0x80, $0x38;
	(v2sf) =	vpush v0, $0xF;
	[tilespmem:$0x10200] =	vst v63  }
0x95: {  	s0 =	sadd.s32 $0x500, s16;
	s23 =	sadd.s32 s3, s25;
	s25 =	spop (v2sf)  }
0x96: {  	[tilespmem:s0], [sflag:$0x1] =	stream.linear.gather [hbm4b:s23+s2], $0x80, $0x38;
	[tilespmem:$0x10200] =	vst v63  }
0x97: {  	s0 =	sadd.s32 s3, s24;
	s23 =	sand.u32 $0x1FFFFFF0, s25;
	s24 =	spop (v2sf)  }
0x98: {  	[tilespmem:s30], [sflag:$0x1] =	stream.linear.gather [hbm4b:s0+s2], $0x80, $0x38;
	[tilespmem:$0x10200] =	vst v63  }
0x99: {  	s0 =	sadd.s32 s3, s23;
	s23 =	sand.u32 $0x1FFFFFF0, s24;
	s24 =	spop (v2sf)  }
0x9a: {  	[tilespmem:s22], [sflag:$0x1] =	stream.linear.gather [hbm4b:s0+s2], $0x80, $0x38;
	[tilespmem:$0x10200] =	vst v63  }
0x9b: {  	s0 =	sadd.s32 s3, s23;
	s22 =	sand.u32 $0x1FFFFFF0, s24;
	s23 =	spop (v2sf)  }
0x9c: {  	[tilespmem:s21], [sflag:$0x1] =	stream.linear.gather [hbm4b:s0+s2], $0x80, $0x38;
	[tilespmem:$0x10200] =	vst v63  }
0x9d: {  	s0 =	sadd.s32 s3, s22;
	s21 =	sand.u32 $0x1FFFFFF0, s23;
	s22 =	spop (v2sf)  }
0x9e: {  	[tilespmem:s20], [sflag:$0x1] =	stream.linear.gather [hbm4b:s0+s2], $0x80, $0x38;
	[tilespmem:$0x10200] =	vst v63  }
0x9f: {  	s0 =	sadd.s32 s3, s21;
	s20 =	sand.u32 $0x1FFFFFF0, s22;
	s21 =	spop (v2sf)  }
0xa0: {  	[tilespmem:s19], [sflag:$0x1] =	stream.linear.gather [hbm4b:s0+s2], $0x80, $0x38;
	[tilespmem:$0x10200] =	vst v63  }
0xa1: {  	s0 =	sadd.s32 s3, s20;
	s19 =	sand.u32 $0x1FFFFFF0, s21;
	s20 =	spop (v2sf)  }
0xa2: {  	[tilespmem:s18], [sflag:$0x1] =	stream.linear.gather [hbm4b:s0+s2], $0x80, $0x38;
	[tilespmem:$0x10200] =	vst v63  }
0xa3: {  	s0 =	sadd.s32 s3, s19;
	s18 =	sand.u32 $0x1FFFFFF0, s20;
	s19 =	spop (v2sf)  }
0xa4: {  	[tilespmem:s17], [sflag:$0x1] =	stream.linear.gather [hbm4b:s0+s2], $0x80, $0x38;
	[tilespmem:$0x10200] =	vst v63  }
0xa5: {  	s0 =	sadd.s32 $0x900, s16;
	s17 =	sadd.s32 s3, s18;
	s18 =	sand.u32 $0x1FFFFFF0, s19  }
0xa6: {  	[tilespmem:s0], [sflag:$0x1] =	stream.linear.gather [hbm4b:s17+s2], $0x80, $0x38;
	[tilespmem:$0x10200] =	vst v63  }
0xa7: {  	s0 =	sadd.s32 $0x980, s16;
	s17 =	sadd.s32 s3, s18  }
0xa8: {  	[tilespmem:s0], [sflag:$0x1] =	stream.linear.gather [hbm4b:s17+s2], $0x80, $0x38;
	[tilespmem:$0x10200] =	vst v63  }
0xa9: {  	v0 =	vld [tilespmem:s13+$0x0];
	_ =	sdelay $0x4  }
0xaa: {  	v0 =	vshll.u32 v0, $0x4  }
0xab: {  	(v2sf) =	vpush v0, $0x0  }
0xac: {  	(v2sf) =	vpush v0, $0x1  }
0xad: {  	(v2sf) =	vpush v0, $0x2;
	_ =	sdelay $0x1  }
0xae: {  	(v2sf) =	vpush v0, $0x3;
	_ =	sdelay $0x1  }
0xaf: {  	(v2sf) =	vpush v0, $0x4;
	_ =	sdelay $0x1  }
0xb0: {  	(v2sf) =	vpush v0, $0x5;
	_ =	sdelay $0x1  }
0xb1: {  	s19 =	sadd.s32 $0x1000, s16;
	s18 =	sadd.s32 $0x1080, s16;
	(v2sf) =	vpush v0, $0x6  }
0xb2: {  	s22 =	sadd.s32 $0xE80, s16;
	s21 =	sadd.s32 $0xF00, s16;
	s20 =	sadd.s32 $0xF80, s16  }
0xb3: {  	s25 =	sadd.s32 $0xD00, s16;
	s24 =	sadd.s32 $0xD80, s16;
	s23 =	sadd.s32 $0xE00, s16;
	(v2sf) =	vpush v0, $0x7  }
0xb4: {  	s28 =	sadd.s32 $0xC80, s16;
	s26 =	sadd.s32 $0xC00, s16;
	s0 =	sadd.s32 $0xB80, s16  }
0xb5: {  	s29 =	sadd.s32 $0xA80, s16;
	s30 =	sadd.s32 $0xB00, s16;
	s17 =	simm.s32 @!p0 $0x1;
	(v2sf) =	vpush v0, $0x8  }
0xb6: {  	s31 =	sadd.s32 $0xA00, s16;
	s13 =	sadd.s32 $0x20, s13;
	s1 =	spop (v2sf)  }
0xb7: {  	s14 =	sadd.s32 $0x1, s14;
	s1 =	sand.u32 $0x1FFFFFF0, s1;
	s10 =	spop (v2sf);
	(v2sf) =	vpush v0, $0x9  }
0xb8: {  	s1 =	sadd.s32 s3, s1;
	s10 =	sand.u32 $0x1FFFFFF0, s10;
	s4 =	spop (v2sf)  }
0xb9: {  	[tilespmem:s31], [sflag:$0x2] =	stream.linear.gather [hbm4b:s1+s2], $0x80, $0x38;
	(v2sf) =	vpush v0, $0xA;
	[tilespmem:$0x10200] =	vst v63  }
0xba: {  	s1 =	sadd.s32 s3, s10;
	s4 =	sand.u32 $0x1FFFFFF0, s4;
	s10 =	spop (v2sf)  }
0xbb: {  	[tilespmem:s29], [sflag:$0x2] =	stream.linear.gather [hbm4b:s1+s2], $0x80, $0x38;
	(v2sf) =	vpush v0, $0xB;
	[tilespmem:$0x10200] =	vst v63  }
0xbc: {  	s1 =	sadd.s32 s3, s4;
	s4 =	sand.u32 $0x1FFFFFF0, s10;
	s10 =	spop (v2sf)  }
0xbd: {  	[tilespmem:s30], [sflag:$0x2] =	stream.linear.gather [hbm4b:s1+s2], $0x80, $0x38;
	(v2sf) =	vpush v0, $0xC;
	[tilespmem:$0x10200] =	vst v63  }
0xbe: {  	s1 =	sadd.s32 s3, s4;
	s4 =	sand.u32 $0x1FFFFFF0, s10;
	s10 =	spop (v2sf)  }
0xbf: {  	[tilespmem:s0], [sflag:$0x2] =	stream.linear.gather [hbm4b:s1+s2], $0x80, $0x38;
	(v2sf) =	vpush v0, $0xD;
	[tilespmem:$0x10200] =	vst v63  }
0xc0: {  	s0 =	sadd.s32 s3, s4;
	s1 =	sand.u32 $0x1FFFFFF0, s10;
	s4 =	spop (v2sf)  }
0xc1: {  	[tilespmem:s26], [sflag:$0x2] =	stream.linear.gather [hbm4b:s0+s2], $0x80, $0x38;
	(v2sf) =	vpush v0, $0xE;
	[tilespmem:$0x10200] =	vst v63  }
0xc2: {  	s0 =	sadd.s32 s3, s1;
	s1 =	sand.u32 $0x1FFFFFF0, s4;
	s4 =	spop (v2sf)  }
0xc3: {  	[tilespmem:s28], [sflag:$0x2] =	stream.linear.gather [hbm4b:s0+s2], $0x80, $0x38;
	(v2sf) =	vpush v0, $0xF;
	[tilespmem:$0x10200] =	vst v63  }
0xc4: {  	s0 =	sadd.s32 s3, s1;
	s1 =	sand.u32 $0x1FFFFFF0, s4;
	s4 =	spop (v2sf)  }
0xc5: {  	[tilespmem:s25], [sflag:$0x2] =	stream.linear.gather [hbm4b:s0+s2], $0x80, $0x38;
	[tilespmem:$0x10200] =	vst v63  }
0xc6: {  	s0 =	sadd.s32 s3, s1;
	s1 =	sand.u32 $0x1FFFFFF0, s4;
	s4 =	spop (v2sf)  }
0xc7: {  	[tilespmem:s24], [sflag:$0x2] =	stream.linear.gather [hbm4b:s0+s2], $0x80, $0x38;
	[tilespmem:$0x10200] =	vst v63  }
0xc8: {  	s0 =	sadd.s32 s3, s1;
	s1 =	sand.u32 $0x1FFFFFF0, s4;
	s4 =	spop (v2sf)  }
0xc9: {  	[tilespmem:s23], [sflag:$0x2] =	stream.linear.gather [hbm4b:s0+s2], $0x80, $0x38;
	[tilespmem:$0x10200] =	vst v63  }
0xca: {  	s0 =	sadd.s32 s3, s1;
	s1 =	sand.u32 $0x1FFFFFF0, s4;
	s4 =	spop (v2sf)  }
0xcb: {  	[tilespmem:s22], [sflag:$0x2] =	stream.linear.gather [hbm4b:s0+s2], $0x80, $0x38;
	[tilespmem:$0x10200] =	vst v63  }
0xcc: {  	s0 =	sadd.s32 s3, s1;
	s1 =	sand.u32 $0x1FFFFFF0, s4;
	s4 =	spop (v2sf)  }
0xcd: {  	[tilespmem:s21], [sflag:$0x2] =	stream.linear.gather [hbm4b:s0+s2], $0x80, $0x38;
	[tilespmem:$0x10200] =	vst v63  }
0xce: {  	s0 =	sadd.s32 s3, s1;
	s1 =	sand.u32 $0x1FFFFFF0, s4;
	s4 =	spop (v2sf)  }
0xcf: {  	[tilespmem:s20], [sflag:$0x2] =	stream.linear.gather [hbm4b:s0+s2], $0x80, $0x38;
	[tilespmem:$0x10200] =	vst v63  }
0xd0: {  	s0 =	sadd.s32 s3, s1;
	s1 =	sand.u32 $0x1FFFFFF0, s4;
	s4 =	spop (v2sf)  }
0xd1: {  	[tilespmem:s19], [sflag:$0x2] =	stream.linear.gather [hbm4b:s0+s2], $0x80, $0x38;
	[tilespmem:$0x10200] =	vst v63  }
.Ltmp0:
0xd2: {  	_ = 	snop;
	(pc) =	sbr.rel @p1 .LBB2_2-.Ltmp0, $4  }
0xd3: {  	s0 =	sadd.s32 s3, s1;
	s1 =	sand.u32 $0x1FFFFFF0, s4;
	s4 =	spop (v2sf)  }
0xd4: {  	[tilespmem:s18], [sflag:$0x2] =	stream.linear.gather [hbm4b:s0+s2], $0x80, $0x38;
	[tilespmem:$0x10200] =	vst v63  }
0xd5: {  	s1 =	sadd.s32 s3, s1;
	s0 =	sadd.s32 $0x1100, s16;
	s16 =	sand.u32 $0x1FFFFFF0, s4  }
0xd6: {  	[tilespmem:s0], [sflag:$0x2] =	stream.linear.gather [hbm4b:s1+s2], $0x80, $0x38;
	[tilespmem:$0x10200] =	vst v63  }
0xd7: {  	s0 =	sadd.s32 s3, s16  }
0xd8: {  	[tilespmem:s15], [sflag:$0x2] =	stream.linear.gather [hbm4b:s0+s2], $0x80, $0x38;
	[tilespmem:$0x10200] =	vst v63  }
0xd9: {  	_ =	swait.ge @!p0 [sflag:s17], $0x800  }
0xda: {  	[sflag:s17] =	ssyncset.done @!p0 $0x0  }
0xdb: {  	s0 =	simm.s32 @!p0 $0x2;
	[sflag:s17] =	ssyncadd.s32 @!p0 $0xFFFFF800  }
0xdc: {  	_ =	swait.ge @!p0 [sflag:s0], $0x800  }
0xdd: {  	[sflag:s0] =	ssyncset.done @!p0 $0x0  }
0xde: {  	[sflag:s0] =	ssyncadd.s32 @!p0 $0xFFFFF800  }
0xdf: {  	_ =	swait.ge [sflag:s8], $0x800  }
0xe0: {  	[sflag:s8] =	ssyncset.done $0x0  }
0xe1: {  	[sflag:s8] =	ssyncadd.s32 $0xFFFFF800  }
0xe2: {  	_ =	swait.ge [sflag:s9], $0x800  }
0xe3: {  	[sflag:s9] =	ssyncset.done $0x0  }
0xe4: {  	[sflag:s9] =	ssyncadd.s32 $0xFFFFF800  }
0xe5: {  	_ =	swait.ge [sflag:s8], $0x800  }
0xe6: {  	[sflag:s8] =	ssyncset.done $0x0  }
0xe7: {  	[sflag:s8] =	ssyncadd.s32 $0xFFFFF800  }
0xe8: {  	_ =	swait.ge [sflag:s9], $0x800  }
0xe9: {  	[sflag:s9] =	ssyncset.done $0x0  }
0xea: {  	[sflag:s9] =	ssyncadd.s32 $0xFFFFF800  }
0xeb: {  	_ =	swait.ge [sflag:s8], $0x800  }
0xec: {  	[sflag:s8] =	ssyncset.done $0x0  }
0xed: {  	[sflag:s8] =	ssyncadd.s32 $0xFFFFF800  }
0xee: {  	_ =	swait.ge [sflag:s9], $0x800  }
0xef: {  	[sflag:s9] =	ssyncset.done $0x0  }
0xf0: {  	[sflag:s9] =	ssyncadd.s32 $0xFFFFF800  }
0xf1: {  	_ =	swait.ge [sflag:s8], $0x800  }
0xf2: {  	[sflag:s8] =	ssyncset.done $0x0  }
0xf3: {  	[sflag:s8] =	ssyncadd.s32 $0xFFFFF800  }
0xf4: {  	_ =	swait.ge [sflag:s9], $0x800  }
0xf5: {  	[sflag:s9] =	ssyncset.done $0x0  }
0xf6: {  	[sflag:s9] =	ssyncadd.s32 $0xFFFFF800  }
0xf7: {  	_ =	swait.ge [sflag:s8], $0x800  }
0xf8: {  	[sflag:s8] =	ssyncset.done $0x0  }
0xf9: {  	[sflag:s8] =	ssyncadd.s32 $0xFFFFF800  }
0xfa: {  	_ =	swait.ge [sflag:s9], $0x800  }
0xfb: {  	[sflag:s9] =	ssyncset.done $0x0  }
0xfc: {  	[sflag:s9] =	ssyncadd.s32 $0xFFFFF800  }
0xfd: {  	_ =	swait.ge [sflag:s8], $0x800  }
0xfe: {  	[sflag:s8] =	ssyncset.done $0x0  }
0xff: {  	[sflag:s8] =	ssyncadd.s32 $0xFFFFF800  }
0x100: {  	_ =	swait.ge [sflag:s9], $0x800  }
0x101: {  	[sflag:s9] =	ssyncset.done $0x0  }
0x102: {  	[sflag:s9] =	ssyncadd.s32 $0xFFFFF800  }
0x103: {  	_ =	swait.ge [sflag:s8], $0x800  }
0x104: {  	[sflag:s8] =	ssyncset.done $0x0  }
0x105: {  	[sflag:s8] =	ssyncadd.s32 $0xFFFFF800  }
0x106: {  	_ =	swait.ge [sflag:s9], $0x800  }
0x107: {  	[sflag:s9] =	ssyncset.done $0x0  }
0x108: {  	[sflag:s9] =	ssyncadd.s32 $0xFFFFF800  }
0x109: {  	_ =	swait.ge [sflag:s8], $0x800  }
0x10a: {  	[sflag:s8] =	ssyncset.done $0x0  }
0x10b: {  	[sflag:s8] =	ssyncadd.s32 $0xFFFFF800  }
0x10c: {  	s11 =	sadd.s32 $0x1, s11;
	_ =	swait.ge [sflag:s9], $0x800  }
0x10d: {  	p0 =	sne.s32 s11, s6;
	[sflag:s9] =	ssyncset.done $0x0  }
.Ltmp1:
0x10e: {  	s31 =	simm.s32 $0x200;
	[sflag:s9] =	ssyncadd.s32 $0xFFFFF800;
	(pc) =	sbr.rel @p0 .LBB2_1-.Ltmp1, $4  }
0x10f: {  	[hbm4b:s5+s2] =	stream.linear.scatter [tilespmem:s31], [sflag:$0x3], $0x10000, $0x38;
	[tilespmem:$0x10200] =	vst v63  }
0x110: {  	_ =	swait.ge [sflag:s7], $0x10000  }
0x111: {  	[sflag:s7] =	ssyncset.done $0x0  }
0x112: {  	[sflag:s7] =	ssyncadd.s32 $0xFFFF0000  }
0x113: {  	_ =	sfence.sel $0x180000  }
0x114: {  	[bflag:$0x0] =	sbarrier.arrive $0xFFFF  }
0x115: {  	_ =	strace $0x90000047  }
0x116: {  	s0 =	stileid.u32;
	[bflag:$0x2] =	sbarrier.arrive $0xFFFF  }
0x117: {  	p0 =	sne.s32 s0, $0x0;
	s0 =	rddreg [dreg:$0x2]  }
0x118: {  	s0 =	sadd.s32 @!p0 $0x100000, s0  }
0x119: {  	[sflag:s0] =	ssyncadd.tile.s32 @!p0 $0x1;
	_ =	shalt  }
.Lfunc_end2:
_tile_overlayer_lowered:
.L_overlay_start_2:
0x11a: {  	(tag) =	ssettag $0x2  }
0x11b: {  	s0 =	rddreg [dreg:$0x0];
	s2 =	stileid.u32  }
0x11c: {  	s1 =	rddreg [dreg:$0x1];
	p0 =	sne.s32 s2, $0x0  }
0x11d: {  	s3 =	rddreg [dreg:$0x2];
	[bflag:$0x3] =	sbarrier.arrive $0xFFFF;
	s2 =	simm.s32 @!p0 $0x1C03  }
0x11e: {  	[timem:s3], [sflag:s2] =	dma.local @!p0 [hbm:s0], s1  }
0x11f: {  	s0 =	simm.s32 @!p0 $0x3  }
0x120: {  	_ =	swait.ge @!p0 [sflag:s0], s1  }
0x121: {  	s1 =	ssub.s32 @!p0 $0x0, s1;
	[sflag:s0] =	ssyncset.done @!p0 $0x0  }
0x122: {  	[sflag:s0] =	ssyncadd.s32 @!p0 s1  }
0x123: {  	[bflag:$0x3] =	sbarrier.arrive $0xFFFF  }
0x124: {  	_ =	shalt  }

</sc_bundles>
